<compile_context>
chip_gen: v7x
topology: tpu7x:2x2x1
jax: 0.10.2.dev20260603
libtpu: 0.0.44.dev20260713+nightly
codegen_flags: <defaults>
</compile_context>

<pallas_src>
import functools

import jax
import jax.numpy as jnp
from jax import lax
from jax.experimental import pallas as pl
from jax.experimental.pallas import tpu as pltpu
from jax.experimental.pallas import tpu_sc as plsc

T = 2048
D = 1024
E = 64
K = 2
H = 512
C = 96
SHARED_H = 1024
ALPHA = 0.5
EPS = 1e-05
NPAIR = T * K
NSLOT = E * C
RT = 256
NW = 32


def _gelu(x):
    return 0.5 * x * (1.0 + lax.erf(x * 0.7071067811865476))


def _pack_words(lo, hi):
    lo16 = lax.bitcast_convert_type(lo.astype(jnp.bfloat16),
                                    jnp.uint16).astype(jnp.uint32)
    hi16 = lax.bitcast_convert_type(hi.astype(jnp.bfloat16),
                                    jnp.uint16).astype(jnp.uint32)
    return lax.bitcast_convert_type(
        jnp.left_shift(hi16, jnp.uint32(16)) | lo16, jnp.float32)


def _unpack_lo(w):
    u = lax.bitcast_convert_type(w, jnp.uint32)
    return lax.bitcast_convert_type(
        jnp.left_shift(u, jnp.uint32(16)), jnp.float32)


def _unpack_hi(w):
    u = lax.bitcast_convert_type(w, jnp.uint32)
    return lax.bitcast_convert_type(u & jnp.uint32(0xFFFF0000), jnp.float32)


def _ln(x, lns, lnb):
    mu = jnp.mean(x, axis=1, keepdims=True)
    xc = x - mu
    var = jnp.mean(xc * xc, axis=1, keepdims=True)
    return xc * lax.rsqrt(var + EPS) * lns + lnb


def _lnrt_body(x_ref, lns_ref, lnb_ref, rw_ref, rb_ref, hb_ref, meta_ref):
    h = _ln(x_ref[...], lns_ref[...], lnb_ref[...])
    hb_ref[...] = _pack_words(h[:, :D // 2], h[:, D // 2:])
    logits = jnp.dot(h, rw_ref[...], preferred_element_type=jnp.float32) + rb_ref[...]
    col = lax.broadcasted_iota(jnp.int32, logits.shape, 1)
    v0 = jnp.max(logits, axis=1, keepdims=True)
    i0 = jnp.min(jnp.where(logits == v0, col, E), axis=1, keepdims=True)
    l2 = jnp.where(col == i0, -jnp.inf, logits)
    v1 = jnp.max(l2, axis=1, keepdims=True)
    i1 = jnp.min(jnp.where(l2 == v1, col, E), axis=1, keepdims=True)
    e1 = jnp.exp(v1 - v0)
    g0 = 1.0 / (1.0 + e1)
    g1 = e1 * g0
    meta_ref[...] = jnp.concatenate(
        [i0.astype(jnp.float32), i1.astype(jnp.float32), g0, g1], axis=1)


def _lnrt(x, lns, lnb, rw, rb):
    return pl.pallas_call(
        _lnrt_body,
        grid=(T // RT,),
        in_specs=[
            pl.BlockSpec((RT, D), lambda i: (i, 0)),
            pl.BlockSpec((1, D), lambda i: (0, 0)),
            pl.BlockSpec((1, D), lambda i: (0, 0)),
            pl.BlockSpec((D, E), lambda i: (0, 0)),
            pl.BlockSpec((1, E), lambda i: (0, 0)),
        ],
        out_specs=[
            pl.BlockSpec((RT, D // 2), lambda i: (i, 0)),
            pl.BlockSpec((RT, 4), lambda i: (i, 0)),
        ],
        out_shape=[
            jax.ShapeDtypeStruct((T, D // 2), jnp.float32),
            jax.ShapeDtypeStruct((T, 4), jnp.float32),
        ],
    )(x, lns, lnb, rw, rb)


def _pos_body(meta_ref, sidx_ref, slotcat_ref, keep_ref):
    e0 = meta_ref[:, 0:1].astype(jnp.int32)
    e1 = meta_ref[:, 1:2].astype(jnp.int32)
    iota = lax.broadcasted_iota(jnp.int32, (T, E), 1)
    oh0 = (e0 == iota).astype(jnp.int32)
    oh1 = (e1 == iota).astype(jnp.int32)
    both = oh0 + oh1
    s = both
    sh = 1
    while sh < T:
        top = jnp.zeros((sh, E), jnp.int32)
        s = s + jnp.concatenate([top, s[:-sh, :]], axis=0)
        sh *= 2
    s = s - both
    pos0 = jnp.sum(s * oh0, axis=1, keepdims=True)
    pos1 = jnp.sum(s * oh1, axis=1, keepdims=True)
    keep0 = pos0 < C
    keep1 = pos1 < C
    slot0 = e0 * C + jnp.minimum(pos0, C - 1)
    slot1 = e1 * C + jnp.minimum(pos1, C - 1)
    sidx_ref[...] = jnp.concatenate(
        [jnp.where(keep0, slot0, NSLOT), jnp.where(keep1, slot1, NSLOT)], axis=1)
    slotcat_ref[...] = jnp.concatenate([slot0, slot1], axis=0)
    keep_ref[...] = jnp.concatenate(
        [keep0.astype(jnp.float32), keep1.astype(jnp.float32)], axis=1)


def _pos(meta):
    return pl.pallas_call(
        _pos_body,
        out_shape=[
            jax.ShapeDtypeStruct((T, K), jnp.int32),
            jax.ShapeDtypeStruct((NPAIR, 1), jnp.int32),
            jax.ShapeDtypeStruct((T, K), jnp.float32),
        ],
    )(meta)


@functools.cache
def _sc_mesh():
    return plsc.VectorSubcoreMesh(core_axis_name="c", subcore_axis_name="s")


PW = D // 2


@functools.cache
def _make_dispatch(chunk):
    bw = NPAIR // NW
    nch = bw // chunk

    @functools.partial(
        pl.kernel,
        mesh=_sc_mesh(),
        out_type=jax.ShapeDtypeStruct((NSLOT + 8, PW), jnp.float32),
        scratch_types=[
            pltpu.VMEM((nch, chunk), jnp.int32),
            pltpu.VMEM((nch, chunk), jnp.int32),
            pltpu.VMEM((chunk, PW), jnp.float32),
            pltpu.SemaphoreType.DMA,
        ],
    )
    def k(h_hbm, tsrc_hbm, sidx_hbm, buf_hbm, tidx_v, sidx_v, rows_v, sem):
        wid = lax.axis_index("s") * 2 + lax.axis_index("c")
        pltpu.sync_copy(tsrc_hbm.at[wid], tidx_v)
        pltpu.sync_copy(sidx_hbm.at[wid], sidx_v)

        def body(c, carry):
            pltpu.async_copy(h_hbm.at[tidx_v.at[c]], rows_v, sem).wait()
            pltpu.async_copy(rows_v, buf_hbm.at[sidx_v.at[c]], sem).wait()
            return carry

        lax.fori_loop(0, nch, body, 0)

    return k


@functools.cache
def _make_gather(nrows_out, chunk):
    bw = nrows_out // NW
    nch = bw // chunk

    @functools.partial(
        pl.kernel,
        mesh=_sc_mesh(),
        out_type=jax.ShapeDtypeStruct((nrows_out, PW), jnp.float32),
        scratch_types=[
            pltpu.VMEM((nch, chunk), jnp.int32),
            pltpu.VMEM((chunk, PW), jnp.float32),
            pltpu.SemaphoreType.DMA,
        ],
    )
    def k(table_hbm, idx_hbm, out_hbm, idx_v, rows_v, sem):
        wid = lax.axis_index("s") * 2 + lax.axis_index("c")
        base = wid * bw
        pltpu.sync_copy(idx_hbm.at[wid], idx_v)

        def body(c, carry):
            off = pl.multiple_of(base + c * chunk, 8)
            pltpu.async_copy(table_hbm.at[idx_v.at[c]], rows_v, sem).wait()
            pltpu.sync_copy(rows_v, out_hbm.at[pl.ds(off, chunk)])
            return carry

        lax.fori_loop(0, nch, body, 0)

    return k


def _experts_body(buf_ref, w1_ref, b1_ref, w2_ref, b2_ref, out_ref):
    xw = buf_ref[...]
    a = (jnp.dot(_unpack_lo(xw), w1_ref[0, :D // 2],
                 preferred_element_type=jnp.float32)
         + jnp.dot(_unpack_hi(xw), w1_ref[0, D // 2:],
                   preferred_element_type=jnp.float32)
         + b1_ref[0])
    a = _gelu(a)
    res = jnp.dot(a, w2_ref[0], preferred_element_type=jnp.float32) + b2_ref[0]
    out_ref[...] = _pack_words(res[:, :D // 2], res[:, D // 2:])


def _experts(buf, w1, b1, w2, b2):
    return pl.pallas_call(
        _experts_body,
        grid=(E,),
        in_specs=[
            pl.BlockSpec((C, D // 2), lambda e: (e, 0)),
            pl.BlockSpec((1, D, H), lambda e: (e, 0, 0)),
            pl.BlockSpec((1, 1, H), lambda e: (e, 0, 0)),
            pl.BlockSpec((1, H, D), lambda e: (e, 0, 0)),
            pl.BlockSpec((1, 1, D), lambda e: (e, 0, 0)),
        ],
        out_specs=pl.BlockSpec((C, D // 2), lambda e: (e, 0)),
        out_shape=jax.ShapeDtypeStruct((NSLOT, D // 2), jnp.float32),
    )(buf, w1, b1, w2, b2)


def _final_body(x_ref, lns_ref, lnb_ref, ta_ref, tb_ref, meta_ref, keep_ref,
                w1_ref, b1_ref, w2_ref, b2_ref, out_ref):
    h = _ln(x_ref[...], lns_ref[...], lnb_ref[...])
    a = _gelu(jnp.dot(h, w1_ref[...], preferred_element_type=jnp.float32) + b1_ref[...])
    sh = x_ref[...] + jnp.dot(a, w2_ref[...], preferred_element_type=jnp.float32) + b2_ref[...]
    gk0 = meta_ref[:, 2:3] * keep_ref[:, 0:1]
    gk1 = meta_ref[:, 3:4] * keep_ref[:, 1:2]
    ta = ta_ref[...]
    tb = tb_ref[...]
    out_ref[:, :D // 2] = sh[:, :D // 2] + ALPHA * (
        gk0 * _unpack_lo(ta) + gk1 * _unpack_lo(tb))
    out_ref[:, D // 2:] = sh[:, D // 2:] + ALPHA * (
        gk0 * _unpack_hi(ta) + gk1 * _unpack_hi(tb))


def _final(x, lns, lnb, tokrows, meta, keep2, w1, b1, w2, b2):
    return pl.pallas_call(
        _final_body,
        grid=(T // RT,),
        in_specs=[
            pl.BlockSpec((RT, D), lambda i: (i, 0)),
            pl.BlockSpec((1, D), lambda i: (0, 0)),
            pl.BlockSpec((1, D), lambda i: (0, 0)),
            pl.BlockSpec((RT, D // 2), lambda i: (i, 0)),
            pl.BlockSpec((RT, D // 2), lambda i: (i + T // RT, 0)),
            pl.BlockSpec((RT, 4), lambda i: (i, 0)),
            pl.BlockSpec((RT, K), lambda i: (i, 0)),
            pl.BlockSpec((D, SHARED_H), lambda i: (0, 0)),
            pl.BlockSpec((1, SHARED_H), lambda i: (0, 0)),
            pl.BlockSpec((SHARED_H, D), lambda i: (0, 0)),
            pl.BlockSpec((1, D), lambda i: (0, 0)),
        ],
        out_specs=pl.BlockSpec((RT, D), lambda i: (i, 0)),
        out_shape=jax.ShapeDtypeStruct((T, D), jnp.float32),
    )(x, lns, lnb, tokrows, tokrows, meta, keep2, w1, b1, w2, b2)


def kernel(hidden_states, ln_scale, ln_bias, shared_W1, shared_b1, shared_W2,
           shared_b2, router_W, router_b, expert_W1, expert_b1, expert_W2,
           expert_b2):
    x = hidden_states.reshape(T, D)
    lns = ln_scale.reshape(1, D)
    lnb = ln_bias.reshape(1, D)
    hb, meta = _lnrt(x, lns, lnb, router_W, router_b.reshape(1, E))
    sidx2, slotcat, keep2 = _pos(meta)
    chunk = 128
    tsrc = jnp.repeat(jnp.arange(T, dtype=jnp.int32), K).reshape(NW, -1, chunk)
    buf = _make_dispatch(chunk)(hb, tsrc, sidx2.reshape(NW, -1, chunk))
    eo = _experts(buf, expert_W1, expert_b1.reshape(E, 1, H),
                  expert_W2, expert_b2.reshape(E, 1, D))
    tokrows = _make_gather(NPAIR, chunk)(eo, slotcat.reshape(NW, -1, chunk))
    out = _final(x, lns, lnb, tokrows, meta, keep2, shared_W1,
                 shared_b1.reshape(1, SHARED_H), shared_W2,
                 shared_b2.reshape(1, D))
    return out.reshape(1, T, D)

# --- scband reference (transcript-rebuilt; emitter-appended) ---
"""Pipeline reference for scband-n3-stage-block-27874337751172 (READ-ONLY COPY).

The authoritative reference and input builder live on the scoring server;
editing this copy changes nothing except your own understanding.
"""

import jax, jax.numpy as jnp
import numpy as np

B, S, D = 1, 2048, 1024
E, K, H = 64, 2, 512
CAP_FACTOR = 1.5
TEMP = 1.0
ALPHA = 0.5
SHARED_H = 1024  # max(round(d_ff * shared_ffn_scale), d_model) = max(1024, 1024)
EPS = 1e-05


def setup_inputs(seed: int = 0) -> dict:
    key = jax.random.key(seed)
    ks = jax.random.split(key, 8)

    def w(k, shape, fan_in):
        return jax.random.normal(k, shape, dtype=jnp.float32) * (1.0 / np.sqrt(fan_in))

    return {
        "hidden_states": jax.random.normal(ks[0], (B, S, D), dtype=jnp.float32),
        "ln_scale": jnp.ones((D,), jnp.float32),
        "ln_bias": jnp.zeros((D,), jnp.float32),
        "shared_W1": w(ks[1], (D, SHARED_H), D),
        "shared_b1": jnp.zeros((SHARED_H,), jnp.float32),
        "shared_W2": w(ks[2], (SHARED_H, D), SHARED_H),
        "shared_b2": jnp.zeros((D,), jnp.float32),
        "router_W": w(ks[3], (D, E), D),
        "router_b": jnp.zeros((E,), jnp.float32),
        "expert_W1": w(ks[4], (E, D, H), D),
        "expert_b1": jnp.zeros((E, H), jnp.float32),
        "expert_W2": w(ks[5], (E, H, D), H),
        "expert_b2": jnp.zeros((E, D), jnp.float32),
    }


def _forward(hidden_states, ln_scale, ln_bias, shared_W1, shared_b1, shared_W2, shared_b2,
             router_W, router_b, expert_W1, expert_b1, expert_W2, expert_b2):
    Bq, Sq, Dq = hidden_states.shape
    T = Bq * Sq
    C = int(T * K * CAP_FACTOR / E)  # per-expert capacity
    x = hidden_states.reshape(T, Dq)

    # pre layer-norm
    mu = jnp.mean(x, axis=-1, keepdims=True)
    var = jnp.mean((x - mu) ** 2, axis=-1, keepdims=True)
    h = (x - mu) / jnp.sqrt(var + EPS) * ln_scale + ln_bias

    # shared FFN branch (always-on residual expert)
    shared = jax.nn.gelu(h @ shared_W1 + shared_b1, approximate=False) @ shared_W2 + shared_b2

    # learned token-granularity router on hidden source
    logits = (h @ router_W + router_b) / TEMP
    topv, topi = jax.lax.top_k(logits, K)
    gates = jax.nn.softmax(topv, axis=-1)

    # capacity-based dispatch (sort token-expert pairs by expert id)
    flat_e = topi.reshape(-1)            # [T*K] int
    flat_g = gates.reshape(-1)           # [T*K]
    flat_t = jnp.repeat(jnp.arange(T), K)
    order = jnp.argsort(flat_e)
    se = flat_e[order]
    st = flat_t[order]
    sg = flat_g[order]
    pos = jnp.arange(T * K) - jnp.searchsorted(se, se, side='left')  # rank within expert
    keep = pos < C
    slot = se * C + jnp.minimum(pos, C - 1)
    buf = jnp.zeros((E * C, Dq), jnp.float32).at[slot].add(
        jnp.where(keep[:, None], h[st], 0.0))
    eb = buf.reshape(E, C, Dq)

    # per-expert MLP: Linear -> GELU -> Linear (expert_depth=1)
    hid = jax.nn.gelu(jnp.einsum('ecd,edh->ech', eb, expert_W1) + expert_b1[:, None, :],
                      approximate=False)
    eo = (jnp.einsum('ech,ehd->ecd', hid, expert_W2) + expert_b2[:, None, :]).reshape(E * C, Dq)

    # combine: gather back, gate-weight, scatter-add to tokens
    tok = eo[slot] * (sg * keep.astype(jnp.float32))[:, None]
    moe = jnp.zeros((T, Dq), jnp.float32).at[st].add(tok)

    # residual mode shared_moe_fixed
    out = x + shared + ALPHA * moe
    return out.reshape(Bq, Sq, Dq)


def reference(hidden_states, ln_scale, ln_bias, shared_W1, shared_b1, shared_W2, shared_b2,
              router_W, router_b, expert_W1, expert_b1, expert_W2, expert_b2):
    return _forward(hidden_states, ln_scale, ln_bias, shared_W1, shared_b1, shared_W2,
                    shared_b2, router_W, router_b, expert_W1, expert_b1, expert_W2,
                    expert_b2)

if __name__ == "__main__":
    import jax
    _d = setup_inputs()
    print(jax.jit(kernel)(*tuple(_d.values())))

</pallas_src>

<mosaic_0001>
#map = affine_map<(d0, d1) -> (0, 0)>
#map1 = affine_map<(d0, d1) -> (0, 0, 0)>
module attributes {stable_mosaic.version = 14 : i64} {
  func.func @k(%arg0: i32, %arg1: i32, %arg2: memref<2048x512xf32, #tpu.memory_space<hbm>>, %arg3: memref<32x1x128xi32, #tpu.memory_space<hbm>>, %arg4: memref<32x1x128xi32, #tpu.memory_space<hbm>>, %arg5: memref<6152x512xf32, #tpu.memory_space<hbm>>, %arg6: memref<1x128xi32, #tpu.memory_space<vmem>>, %arg7: memref<1x128xi32, #tpu.memory_space<vmem>>, %arg8: memref<128x512xf32, #tpu.memory_space<vmem>>, %arg9: memref<!tpu.dma_semaphore, #tpu.memory_space<semaphore_mem>>) attributes {dimension_semantics = [#tpu.dimension_semantics<core_parallel>, #tpu.dimension_semantics<subcore_parallel>], iteration_bounds = array<i64: 2, 16>, scalar_prefetch = 0 : i64, scratch_operands = 4 : i64, tpu.core_type = #tpu.core_type<sc_vector_subcore>, window_params = [{transform_indices = #map}, {transform_indices = #map1}, {transform_indices = #map1}, {transform_indices = #map}]} {
    %mul3A = arith.constant 2 : i32
    %mul3A_0 = arith.muli %arg1, %mul3A : i32
    %add3A = arith.addi %mul3A_0, %arg0 : i32
    "tpu.region"() ({
      %run_scoped3A = tpu.sem_alloc : memref<!tpu.dma_semaphore, #tpu.memory_space<semaphore_mem>>
      %dma_start3A_25 = arith.constant 0 : i32
      %dma_start3A_26 = arith.constant 0 : i32
      %dma_start3A_27 = tpu.memref_slice %arg3[%add3A, %dma_start3A_25, %dma_start3A_26] : memref<32x1x128xi32, #tpu.memory_space<hbm>> -> memref<1x1x128xi32, #tpu.memory_space<hbm>>
      %dma_start3A_28 = tpu.memref_squeeze %dma_start3A_27 : memref<1x1x128xi32, #tpu.memory_space<hbm>> -> memref<1x128xi32, #tpu.memory_space<hbm>>
      %dma_start3A_29 = arith.constant 0 : i32
      %dma_start3A_30 = arith.constant 0 : i32
      %dma_start3A_31 = tpu.memref_slice %arg3[%add3A, %dma_start3A_29, %dma_start3A_30] : memref<32x1x128xi32, #tpu.memory_space<hbm>> -> memref<1x1x128xi32, #tpu.memory_space<hbm>>
      %dma_start3A_32 = tpu.memref_squeeze %dma_start3A_31 : memref<1x1x128xi32, #tpu.memory_space<hbm>> -> memref<1x128xi32, #tpu.memory_space<hbm>>
      tpu.enqueue_dma source(%dma_start3A_32 : memref<1x128xi32, #tpu.memory_space<hbm>>) target(%arg6 : memref<1x128xi32, #tpu.memory_space<vmem>>) target_semaphore(%run_scoped3A : memref<!tpu.dma_semaphore, #tpu.memory_space<semaphore_mem>>)
      %dma_wait3A_33 = arith.constant 0 : i32
      %dma_wait3A_34 = arith.constant 0 : i32
      %dma_wait3A_35 = tpu.memref_slice %arg3[%add3A, %dma_wait3A_33, %dma_wait3A_34] : memref<32x1x128xi32, #tpu.memory_space<hbm>> -> memref<1x1x128xi32, #tpu.memory_space<hbm>>
      %dma_wait3A_36 = tpu.memref_squeeze %dma_wait3A_35 : memref<1x1x128xi32, #tpu.memory_space<hbm>> -> memref<1x128xi32, #tpu.memory_space<hbm>>
      %dma_wait3A_37 = arith.constant 0 : i32
      %dma_wait3A_38 = arith.constant 0 : i32
      %dma_wait3A_39 = tpu.memref_slice %arg3[%add3A, %dma_wait3A_37, %dma_wait3A_38] : memref<32x1x128xi32, #tpu.memory_space<hbm>> -> memref<1x1x128xi32, #tpu.memory_space<hbm>>
      %dma_wait3A_40 = tpu.memref_squeeze %dma_wait3A_39 : memref<1x1x128xi32, #tpu.memory_space<hbm>> -> memref<1x128xi32, #tpu.memory_space<hbm>>
      tpu.wait_dma2 semaphore(%run_scoped3A : memref<!tpu.dma_semaphore, #tpu.memory_space<semaphore_mem>>) src(%dma_wait3A_40 : memref<1x128xi32, #tpu.memory_space<hbm>>) dst(%arg6 : memref<1x128xi32, #tpu.memory_space<vmem>>)
      tpu.yield
    }) : () -> ()
    "tpu.region"() ({
      %run_scoped3A = tpu.sem_alloc : memref<!tpu.dma_semaphore, #tpu.memory_space<semaphore_mem>>
      %dma_start3A_25 = arith.constant 0 : i32
      %dma_start3A_26 = arith.constant 0 : i32
      %dma_start3A_27 = tpu.memref_slice %arg4[%add3A, %dma_start3A_25, %dma_start3A_26] : memref<32x1x128xi32, #tpu.memory_space<hbm>> -> memref<1x1x128xi32, #tpu.memory_space<hbm>>
      %dma_start3A_28 = tpu.memref_squeeze %dma_start3A_27 : memref<1x1x128xi32, #tpu.memory_space<hbm>> -> memref<1x128xi32, #tpu.memory_space<hbm>>
      %dma_start3A_29 = arith.constant 0 : i32
      %dma_start3A_30 = arith.constant 0 : i32
      %dma_start3A_31 = tpu.memref_slice %arg4[%add3A, %dma_start3A_29, %dma_start3A_30] : memref<32x1x128xi32, #tpu.memory_space<hbm>> -> memref<1x1x128xi32, #tpu.memory_space<hbm>>
      %dma_start3A_32 = tpu.memref_squeeze %dma_start3A_31 : memref<1x1x128xi32, #tpu.memory_space<hbm>> -> memref<1x128xi32, #tpu.memory_space<hbm>>
      tpu.enqueue_dma source(%dma_start3A_32 : memref<1x128xi32, #tpu.memory_space<hbm>>) target(%arg7 : memref<1x128xi32, #tpu.memory_space<vmem>>) target_semaphore(%run_scoped3A : memref<!tpu.dma_semaphore, #tpu.memory_space<semaphore_mem>>)
      %dma_wait3A_33 = arith.constant 0 : i32
      %dma_wait3A_34 = arith.constant 0 : i32
      %dma_wait3A_35 = tpu.memref_slice %arg4[%add3A, %dma_wait3A_33, %dma_wait3A_34] : memref<32x1x128xi32, #tpu.memory_space<hbm>> -> memref<1x1x128xi32, #tpu.memory_space<hbm>>
      %dma_wait3A_36 = tpu.memref_squeeze %dma_wait3A_35 : memref<1x1x128xi32, #tpu.memory_space<hbm>> -> memref<1x128xi32, #tpu.memory_space<hbm>>
      %dma_wait3A_37 = arith.constant 0 : i32
      %dma_wait3A_38 = arith.constant 0 : i32
      %dma_wait3A_39 = tpu.memref_slice %arg4[%add3A, %dma_wait3A_37, %dma_wait3A_38] : memref<32x1x128xi32, #tpu.memory_space<hbm>> -> memref<1x1x128xi32, #tpu.memory_space<hbm>>
      %dma_wait3A_40 = tpu.memref_squeeze %dma_wait3A_39 : memref<1x1x128xi32, #tpu.memory_space<hbm>> -> memref<1x128xi32, #tpu.memory_space<hbm>>
      tpu.wait_dma2 semaphore(%run_scoped3A : memref<!tpu.dma_semaphore, #tpu.memory_space<semaphore_mem>>) src(%dma_wait3A_40 : memref<1x128xi32, #tpu.memory_space<hbm>>) dst(%arg7 : memref<1x128xi32, #tpu.memory_space<vmem>>)
      tpu.yield
    }) : () -> ()
    %scan3A = arith.constant 0 : i32
    %scan3A_1 = arith.constant 0 : i32
    %dma_start3A = arith.constant 0 : i32
    %dma_start3A_2 = tpu.memref_slice %arg6[%scan3A_1, %dma_start3A] : memref<1x128xi32, #tpu.memory_space<vmem>> -> memref<1x128xi32, #tpu.memory_space<vmem>>
    %dma_start3A_3 = tpu.memref_squeeze %dma_start3A_2 : memref<1x128xi32, #tpu.memory_space<vmem>> -> memref<128xi32, #tpu.memory_space<vmem>>
    %dma_start3A_4 = arith.constant 0 : i32
    %dma_start3A_5 = arith.constant 0 : i32
    %dma_start3A_6 = tpu.memref_slice %arg2[%dma_start3A_4, %dma_start3A_5] : memref<2048x512xf32, #tpu.memory_space<hbm>> -> memref<2048x512xf32, #tpu.memory_space<hbm>>
    tpu.enqueue_indirect_dma source(%dma_start3A_6 : memref<2048x512xf32, #tpu.memory_space<hbm>>) target(%arg8 : memref<128x512xf32, #tpu.memory_space<vmem>>) offsets(%dma_start3A_3 : memref<128xi32, #tpu.memory_space<vmem>>) semaphore(%arg9 : memref<!tpu.dma_semaphore, #tpu.memory_space<semaphore_mem>>)
    %dma_wait3A = arith.constant 0 : i32
    %dma_wait3A_7 = tpu.memref_slice %arg6[%scan3A_1, %dma_wait3A] : memref<1x128xi32, #tpu.memory_space<vmem>> -> memref<1x128xi32, #tpu.memory_space<vmem>>
    %dma_wait3A_8 = tpu.memref_squeeze %dma_wait3A_7 : memref<1x128xi32, #tpu.memory_space<vmem>> -> memref<128xi32, #tpu.memory_space<vmem>>
    %dma_wait3A_9 = arith.constant 0 : i32
    %dma_wait3A_10 = arith.constant 0 : i32
    %dma_wait3A_11 = tpu.memref_slice %arg2[%dma_wait3A_9, %dma_wait3A_10] : memref<2048x512xf32, #tpu.memory_space<hbm>> -> memref<2048x512xf32, #tpu.memory_space<hbm>>
    tpu.wait_indirect_dma semaphore(%arg9 : memref<!tpu.dma_semaphore, #tpu.memory_space<semaphore_mem>>) src(%dma_wait3A_11 : memref<2048x512xf32, #tpu.memory_space<hbm>>) dst(%arg8 : memref<128x512xf32, #tpu.memory_space<vmem>>)
    %dma_start3A_12 = arith.constant 0 : i32
    %dma_start3A_13 = tpu.memref_slice %arg7[%scan3A_1, %dma_start3A_12] : memref<1x128xi32, #tpu.memory_space<vmem>> -> memref<1x128xi32, #tpu.memory_space<vmem>>
    %dma_start3A_14 = tpu.memref_squeeze %dma_start3A_13 : memref<1x128xi32, #tpu.memory_space<vmem>> -> memref<128xi32, #tpu.memory_space<vmem>>
    %dma_start3A_15 = arith.constant 0 : i32
    %dma_start3A_16 = arith.constant 0 : i32
    %dma_start3A_17 = tpu.memref_slice %arg5[%dma_start3A_15, %dma_start3A_16] : memref<6152x512xf32, #tpu.memory_space<hbm>> -> memref<6152x512xf32, #tpu.memory_space<hbm>>
    tpu.enqueue_indirect_dma source(%arg8 : memref<128x512xf32, #tpu.memory_space<vmem>>) target(%dma_start3A_17 : memref<6152x512xf32, #tpu.memory_space<hbm>>) offsets(%dma_start3A_14 : memref<128xi32, #tpu.memory_space<vmem>>) semaphore(%arg9 : memref<!tpu.dma_semaphore, #tpu.memory_space<semaphore_mem>>)
    %dma_wait3A_18 = arith.constant 0 : i32
    %dma_wait3A_19 = tpu.memref_slice %arg7[%scan3A_1, %dma_wait3A_18] : memref<1x128xi32, #tpu.memory_space<vmem>> -> memref<1x128xi32, #tpu.memory_space<vmem>>
    %dma_wait3A_20 = tpu.memref_squeeze %dma_wait3A_19 : memref<1x128xi32, #tpu.memory_space<vmem>> -> memref<128xi32, #tpu.memory_space<vmem>>
    %dma_wait3A_21 = arith.constant 0 : i32
    %dma_wait3A_22 = arith.constant 0 : i32
    %dma_wait3A_23 = tpu.memref_slice %arg5[%dma_wait3A_21, %dma_wait3A_22] : memref<6152x512xf32, #tpu.memory_space<hbm>> -> memref<6152x512xf32, #tpu.memory_space<hbm>>
    tpu.wait_indirect_dma semaphore(%arg9 : memref<!tpu.dma_semaphore, #tpu.memory_space<semaphore_mem>>) src(%arg8 : memref<128x512xf32, #tpu.memory_space<vmem>>) dst(%dma_wait3A_23 : memref<6152x512xf32, #tpu.memory_space<hbm>>)
    %scan3A_24 = arith.constant 1 : i32
    return
  }
}

#map = affine_map<(d0, d1) -> (0, 0)>
#map1 = affine_map<(d0, d1) -> (0, 0, 0)>
module attributes {stable_mosaic.version = 14 : i64} {
  func.func @k(%arg0: i32, %arg1: i32, %arg2: memref<6144x512xf32, #tpu.memory_space<hbm>>, %arg3: memref<32x1x128xi32, #tpu.memory_space<hbm>>, %arg4: memref<4096x512xf32, #tpu.memory_space<hbm>>, %arg5: memref<1x128xi32, #tpu.memory_space<vmem>>, %arg6: memref<128x512xf32, #tpu.memory_space<vmem>>, %arg7: memref<!tpu.dma_semaphore, #tpu.memory_space<semaphore_mem>>) attributes {dimension_semantics = [#tpu.dimension_semantics<core_parallel>, #tpu.dimension_semantics<subcore_parallel>], iteration_bounds = array<i64: 2, 16>, scalar_prefetch = 0 : i64, scratch_operands = 3 : i64, tpu.core_type = #tpu.core_type<sc_vector_subcore>, window_params = [{transform_indices = #map}, {transform_indices = #map1}, {transform_indices = #map}]} {
    %mul3A = arith.constant 2 : i32
    %mul3A_0 = arith.muli %arg1, %mul3A : i32
    %add3A = arith.addi %mul3A_0, %arg0 : i32
    %mul3A_1 = arith.constant 128 : i32
    %mul3A_2 = arith.muli %add3A, %mul3A_1 : i32
    "tpu.region"() ({
      %run_scoped3A = tpu.sem_alloc : memref<!tpu.dma_semaphore, #tpu.memory_space<semaphore_mem>>
      %dma_start3A_18 = arith.constant 0 : i32
      %dma_start3A_19 = arith.constant 0 : i32
      %dma_start3A_20 = tpu.memref_slice %arg3[%add3A, %dma_start3A_18, %dma_start3A_19] : memref<32x1x128xi32, #tpu.memory_space<hbm>> -> memref<1x1x128xi32, #tpu.memory_space<hbm>>
      %dma_start3A_21 = tpu.memref_squeeze %dma_start3A_20 : memref<1x1x128xi32, #tpu.memory_space<hbm>> -> memref<1x128xi32, #tpu.memory_space<hbm>>
      %dma_start3A_22 = arith.constant 0 : i32
      %dma_start3A_23 = arith.constant 0 : i32
      %dma_start3A_24 = tpu.memref_slice %arg3[%add3A, %dma_start3A_22, %dma_start3A_23] : memref<32x1x128xi32, #tpu.memory_space<hbm>> -> memref<1x1x128xi32, #tpu.memory_space<hbm>>
      %dma_start3A_25 = tpu.memref_squeeze %dma_start3A_24 : memref<1x1x128xi32, #tpu.memory_space<hbm>> -> memref<1x128xi32, #tpu.memory_space<hbm>>
      tpu.enqueue_dma source(%dma_start3A_25 : memref<1x128xi32, #tpu.memory_space<hbm>>) target(%arg5 : memref<1x128xi32, #tpu.memory_space<vmem>>) target_semaphore(%run_scoped3A : memref<!tpu.dma_semaphore, #tpu.memory_space<semaphore_mem>>)
      %dma_wait3A_26 = arith.constant 0 : i32
      %dma_wait3A_27 = arith.constant 0 : i32
      %dma_wait3A_28 = tpu.memref_slice %arg3[%add3A, %dma_wait3A_26, %dma_wait3A_27] : memref<32x1x128xi32, #tpu.memory_space<hbm>> -> memref<1x1x128xi32, #tpu.memory_space<hbm>>
      %dma_wait3A_29 = tpu.memref_squeeze %dma_wait3A_28 : memref<1x1x128xi32, #tpu.memory_space<hbm>> -> memref<1x128xi32, #tpu.memory_space<hbm>>
      %dma_wait3A_30 = arith.constant 0 : i32
      %dma_wait3A_31 = arith.constant 0 : i32
      %dma_wait3A_32 = tpu.memref_slice %arg3[%add3A, %dma_wait3A_30, %dma_wait3A_31] : memref<32x1x128xi32, #tpu.memory_space<hbm>> -> memref<1x1x128xi32, #tpu.memory_space<hbm>>
      %dma_wait3A_33 = tpu.memref_squeeze %dma_wait3A_32 : memref<1x1x128xi32, #tpu.memory_space<hbm>> -> memref<1x128xi32, #tpu.memory_space<hbm>>
      tpu.wait_dma2 semaphore(%run_scoped3A : memref<!tpu.dma_semaphore, #tpu.memory_space<semaphore_mem>>) src(%dma_wait3A_33 : memref<1x128xi32, #tpu.memory_space<hbm>>) dst(%arg5 : memref<1x128xi32, #tpu.memory_space<vmem>>)
      tpu.yield
    }) : () -> ()
    %scan3A = arith.constant 0 : i32
    %scan3A_3 = arith.constant 0 : i32
    %mul3A_4 = arith.constant 128 : i32
    %mul3A_5 = arith.muli %scan3A_3, %mul3A_4 : i32
    %add3A_6 = arith.addi %mul3A_2, %mul3A_5 : i32
    %multiple_of3A = tpu.assume_multiple %add3A_6, 8 : i32
    %dma_start3A = arith.constant 0 : i32
    %dma_start3A_7 = tpu.memref_slice %arg5[%scan3A_3, %dma_start3A] : memref<1x128xi32, #tpu.memory_space<vmem>> -> memref<1x128xi32, #tpu.memory_space<vmem>>
    %dma_start3A_8 = tpu.memref_squeeze %dma_start3A_7 : memref<1x128xi32, #tpu.memory_space<vmem>> -> memref<128xi32, #tpu.memory_space<vmem>>
    %dma_start3A_9 = arith.constant 0 : i32
    %dma_start3A_10 = arith.constant 0 : i32
    %dma_start3A_11 = tpu.memref_slice %arg2[%dma_start3A_9, %dma_start3A_10] : memref<6144x512xf32, #tpu.memory_space<hbm>> -> memref<6144x512xf32, #tpu.memory_space<hbm>>
    tpu.enqueue_indirect_dma source(%dma_start3A_11 : memref<6144x512xf32, #tpu.memory_space<hbm>>) target(%arg6 : memref<128x512xf32, #tpu.memory_space<vmem>>) offsets(%dma_start3A_8 : memref<128xi32, #tpu.memory_space<vmem>>) semaphore(%arg7 : memref<!tpu.dma_semaphore, #tpu.memory_space<semaphore_mem>>)
    %dma_wait3A = arith.constant 0 : i32
    %dma_wait3A_12 = tpu.memref_slice %arg5[%scan3A_3, %dma_wait3A] : memref<1x128xi32, #tpu.memory_space<vmem>> -> memref<1x128xi32, #tpu.memory_space<vmem>>
    %dma_wait3A_13 = tpu.memref_squeeze %dma_wait3A_12 : memref<1x128xi32, #tpu.memory_space<vmem>> -> memref<128xi32, #tpu.memory_space<vmem>>
    %dma_wait3A_14 = arith.constant 0 : i32
    %dma_wait3A_15 = arith.constant 0 : i32
    %dma_wait3A_16 = tpu.memref_slice %arg2[%dma_wait3A_14, %dma_wait3A_15] : memref<6144x512xf32, #tpu.memory_space<hbm>> -> memref<6144x512xf32, #tpu.memory_space<hbm>>
    tpu.wait_indirect_dma semaphore(%arg7 : memref<!tpu.dma_semaphore, #tpu.memory_space<semaphore_mem>>) src(%dma_wait3A_16 : memref<6144x512xf32, #tpu.memory_space<hbm>>) dst(%arg6 : memref<128x512xf32, #tpu.memory_space<vmem>>)
    "tpu.region"() ({
      %run_scoped3A = tpu.sem_alloc : memref<!tpu.dma_semaphore, #tpu.memory_space<semaphore_mem>>
      %dma_start3A_18 = arith.constant 0 : i32
      %dma_start3A_19 = tpu.memref_slice %arg4[%multiple_of3A, %dma_start3A_18] : memref<4096x512xf32, #tpu.memory_space<hbm>> -> memref<128x512xf32, #tpu.memory_space<hbm>>
      %dma_start3A_20 = arith.constant 0 : i32
      %dma_start3A_21 = tpu.memref_slice %arg4[%multiple_of3A, %dma_start3A_20] : memref<4096x512xf32, #tpu.memory_space<hbm>> -> memref<128x512xf32, #tpu.memory_space<hbm>>
      tpu.enqueue_dma source(%arg6 : memref<128x512xf32, #tpu.memory_space<vmem>>) target(%dma_start3A_21 : memref<128x512xf32, #tpu.memory_space<hbm>>) target_semaphore(%run_scoped3A : memref<!tpu.dma_semaphore, #tpu.memory_space<semaphore_mem>>)
      %dma_wait3A_22 = arith.constant 0 : i32
      %dma_wait3A_23 = tpu.memref_slice %arg4[%multiple_of3A, %dma_wait3A_22] : memref<4096x512xf32, #tpu.memory_space<hbm>> -> memref<128x512xf32, #tpu.memory_space<hbm>>
      %dma_wait3A_24 = arith.constant 0 : i32
      %dma_wait3A_25 = tpu.memref_slice %arg4[%multiple_of3A, %dma_wait3A_24] : memref<4096x512xf32, #tpu.memory_space<hbm>> -> memref<128x512xf32, #tpu.memory_space<hbm>>
      tpu.wait_dma2 semaphore(%run_scoped3A : memref<!tpu.dma_semaphore, #tpu.memory_space<semaphore_mem>>) src(%arg6 : memref<128x512xf32, #tpu.memory_space<vmem>>) dst(%dma_wait3A_25 : memref<128x512xf32, #tpu.memory_space<hbm>>)
      tpu.yield
    }) : () -> ()
    %scan3A_17 = arith.constant 1 : i32
    return
  }
}

module attributes {stable_mosaic.version = 14 : i64} {
  func.func @_lnrt_body(%arg0: i32, %arg1: memref<256x1024xf32, #tpu.memory_space<vmem>>, %arg2: memref<1x1024xf32, #tpu.memory_space<vmem>>, %arg3: memref<1x1024xf32, #tpu.memory_space<vmem>>, %arg4: memref<1024x64xf32, #tpu.memory_space<vmem>>, %arg5: memref<1x64xf32, #tpu.memory_space<vmem>>, %arg6: memref<256x512xf32, #tpu.memory_space<vmem>>, %arg7: memref<256x4xf32, #tpu.memory_space<vmem>>) attributes {dimension_semantics = [#tpu.dimension_semantics<arbitrary>], iteration_bounds = array<i64: 8>, scalar_prefetch = 0 : i64, scratch_operands = 0 : i64, tpu.core_type = #tpu.core_type<tc>, window_params = [{transform_indices = @transform_0, window_bounds = array<i64: 256, 1024>}, {pipeline_mode = #tpu.pipeline_mode<synchronous>, transform_indices = @transform_1, window_bounds = array<i64: 1, 1024>}, {pipeline_mode = #tpu.pipeline_mode<synchronous>, transform_indices = @transform_2, window_bounds = array<i64: 1, 1024>}, {pipeline_mode = #tpu.pipeline_mode<synchronous>, transform_indices = @transform_3, window_bounds = array<i64: 1024, 64>}, {pipeline_mode = #tpu.pipeline_mode<synchronous>, transform_indices = @transform_4, window_bounds = array<i64: 1, 64>}, {transform_indices = @transform_5, window_bounds = array<i64: 256, 512>}, {transform_indices = @transform_6, window_bounds = array<i64: 256, 4>}]} {
    %get3A = arith.constant 0 : index
    %get3A_0 = arith.constant 0 : index
    %get3A_1 = vector.load %arg1[%get3A, %get3A_0] : memref<256x1024xf32, #tpu.memory_space<vmem>>, vector<256x1024xf32>
    %get3A_2 = arith.constant 0 : index
    %get3A_3 = arith.constant 0 : index
    %get3A_4 = vector.load %arg2[%get3A_2, %get3A_3] : memref<1x1024xf32, #tpu.memory_space<vmem>>, vector<1x1024xf32>
    %get3A_5 = arith.constant 0 : index
    %get3A_6 = arith.constant 0 : index
    %get3A_7 = vector.load %arg3[%get3A_5, %get3A_6] : memref<1x1024xf32, #tpu.memory_space<vmem>>, vector<1x1024xf32>
    %reduce_sum3A = arith.constant dense<0.000000e+00> : vector<256xf32>
    %reduce_sum3A_8 = vector.multi_reduction <add>, %get3A_1, %reduce_sum3A [1] : vector<256x1024xf32> to vector<256xf32>
    %broadcast_in_dim3A = vector.shape_cast %reduce_sum3A_8 : vector<256xf32> to vector<256x1xf32>
    %div3A = arith.constant 1.024000e+03 : f32
    %div3A_9 = vector.broadcast %div3A : f32 to vector<256x1xf32>
    %div3A_10 = arith.divf %broadcast_in_dim3A, %div3A_9 : vector<256x1xf32>
    %sub3A = vector.broadcast %div3A_10 : vector<256x1xf32> to vector<256x1024xf32>
    %sub3A_11 = arith.subf %get3A_1, %sub3A : vector<256x1024xf32>
    %mul3A = arith.mulf %sub3A_11, %sub3A_11 : vector<256x1024xf32>
    %reduce_sum3A_12 = arith.constant dense<0.000000e+00> : vector<256xf32>
    %reduce_sum3A_13 = vector.multi_reduction <add>, %mul3A, %reduce_sum3A_12 [1] : vector<256x1024xf32> to vector<256xf32>
    %broadcast_in_dim3A_14 = vector.shape_cast %reduce_sum3A_13 : vector<256xf32> to vector<256x1xf32>
    %div3A_15 = arith.constant 1.024000e+03 : f32
    %div3A_16 = vector.broadcast %div3A_15 : f32 to vector<256x1xf32>
    %div3A_17 = arith.divf %broadcast_in_dim3A_14, %div3A_16 : vector<256x1xf32>
    %add3A = arith.constant 9.99999974E-6 : f32
    %add3A_18 = vector.broadcast %add3A : f32 to vector<256x1xf32>
    %add3A_19 = arith.addf %div3A_17, %add3A_18 : vector<256x1xf32>
    %rsqrt3A = math.rsqrt %add3A_19 : vector<256x1xf32>
    %mul3A_20 = vector.broadcast %rsqrt3A : vector<256x1xf32> to vector<256x1024xf32>
    %mul3A_21 = arith.mulf %sub3A_11, %mul3A_20 : vector<256x1024xf32>
    %mul3A_22 = vector.broadcast %get3A_4 : vector<1x1024xf32> to vector<256x1024xf32>
    %mul3A_23 = arith.mulf %mul3A_21, %mul3A_22 : vector<256x1024xf32>
    %add3A_24 = vector.broadcast %get3A_7 : vector<1x1024xf32> to vector<256x1024xf32>
    %add3A_25 = arith.addf %mul3A_23, %add3A_24 : vector<256x1024xf32>
    %slice3A = vector.extract_strided_slice %add3A_25 {offsets = [0, 0], sizes = [256, 512], strides = [1, 1]} : vector<256x1024xf32> to vector<256x512xf32>
    %slice3A_26 = vector.extract_strided_slice %add3A_25 {offsets = [0, 512], sizes = [256, 512], strides = [1, 1]} : vector<256x1024xf32> to vector<256x512xf32>
    %convert_element_type3A = arith.truncf %slice3A : vector<256x512xf32> to vector<256x512xbf16>
    %bitcast_convert_type3A = tpu.bitcast %convert_element_type3A : vector<256x512xbf16> -> vector<256x512xi16>
    %convert_element_type3A_27 = arith.extui %bitcast_convert_type3A : vector<256x512xi16> to vector<256x512xi32>
    %convert_element_type3A_28 = arith.truncf %slice3A_26 : vector<256x512xf32> to vector<256x512xbf16>
    %bitcast_convert_type3A_29 = tpu.bitcast %convert_element_type3A_28 : vector<256x512xbf16> -> vector<256x512xi16>
    %convert_element_type3A_30 = arith.extui %bitcast_convert_type3A_29 : vector<256x512xi16> to vector<256x512xi32>
    %shift_left3A = arith.constant 16 : i32
    %shift_left3A_31 = vector.broadcast %shift_left3A : i32 to vector<256x512xi32>
    %shift_left3A_32 = arith.shli %convert_element_type3A_30, %shift_left3A_31 : vector<256x512xi32>
    %or3A = arith.ori %shift_left3A_32, %convert_element_type3A_27 : vector<256x512xi32>
    %bitcast_convert_type3A_33 = tpu.bitcast %or3A : vector<256x512xi32> -> vector<256x512xf32>
    %swap3A = arith.constant 0 : index
    %swap3A_34 = arith.constant 0 : index
    %swap3A_35 = vector.load %arg6[%swap3A, %swap3A_34] : memref<256x512xf32, #tpu.memory_space<vmem>>, vector<256x512xf32>
    tpu.vector_store %arg6[%swap3A, %swap3A_34], %bitcast_convert_type3A_33 {strides = array<i32>} : memref<256x512xf32, #tpu.memory_space<vmem>>, vector<256x512xf32>,
    %get3A_36 = arith.constant 0 : index
    %get3A_37 = arith.constant 0 : index
    %get3A_38 = vector.load %arg4[%get3A_36, %get3A_37] : memref<1024x64xf32, #tpu.memory_space<vmem>>, vector<1024x64xf32>
    %dot_general3A = arith.constant dense<0.000000e+00> : vector<256x64xf32>
    %dot_general3A_39 = tpu.matmul %add3A_25, %get3A_38, %dot_general3A {dimension_numbers = #tpu.dot_dimension_numbers<[1], [0], [0], [1], [0, 0, 1, 1], [], []>, transpose_lhs_hint = false} : vector<256x1024xf32>, vector<1024x64xf32>, vector<256x64xf32> -> vector<256x64xf32>
    %get3A_40 = arith.constant 0 : index
    %get3A_41 = arith.constant 0 : index
    %get3A_42 = vector.load %arg5[%get3A_40, %get3A_41] : memref<1x64xf32, #tpu.memory_space<vmem>>, vector<1x64xf32>
    %add3A_43 = vector.broadcast %get3A_42 : vector<1x64xf32> to vector<256x64xf32>
    %add3A_44 = arith.addf %dot_general3A_39, %add3A_43 : vector<256x64xf32>
    %iota3A = tpu.iota {dimensions = array<i32: 1>} : vector<256x64xi32>
    %reduce_max3A = arith.constant dense<0xFF800000> : vector<256xf32>
    %reduce_max3A_45 = vector.multi_reduction <maximumf>, %add3A_44, %reduce_max3A [1] : vector<256x64xf32> to vector<256xf32>
    %broadcast_in_dim3A_46 = vector.shape_cast %reduce_max3A_45 : vector<256xf32> to vector<256x1xf32>
    %eq3A = vector.broadcast %broadcast_in_dim3A_46 : vector<256x1xf32> to vector<256x64xf32>
    %eq3A_47 = arith.cmpf oeq, %add3A_44, %eq3A : vector<256x64xf32>
    %jit3A = arith.constant 64 : i32
    %broadcast_in_dim3A_48 = vector.broadcast %jit3A : i32 to vector<256x64xi32>
    %select_n3A = arith.select %eq3A_47, %iota3A, %broadcast_in_dim3A_48 : vector<256x64xi1>, vector<256x64xi32>
    %reduce_min3A = arith.constant dense<2147483647> : vector<256xi32>
    %reduce_min3A_49 = vector.multi_reduction <minsi>, %select_n3A, %reduce_min3A [1] : vector<256x64xi32> to vector<256xi32>
    %broadcast_in_dim3A_50 = vector.shape_cast %reduce_min3A_49 : vector<256xi32> to vector<256x1xi32>
    %eq3A_51 = vector.broadcast %broadcast_in_dim3A_50 : vector<256x1xi32> to vector<256x64xi32>
    %eq3A_52 = arith.cmpi eq, %iota3A, %eq3A_51 : vector<256x64xi32>
    %jit3A_53 = arith.constant 0xFF800000 : f32
    %broadcast_in_dim3A_54 = vector.broadcast %jit3A_53 : f32 to vector<256x64xf32>
    %select_n3A_55 = arith.select %eq3A_52, %broadcast_in_dim3A_54, %add3A_44 : vector<256x64xi1>, vector<256x64xf32>
    %reduce_max3A_56 = arith.constant dense<0xFF800000> : vector<256xf32>
    %reduce_max3A_57 = vector.multi_reduction <maximumf>, %select_n3A_55, %reduce_max3A_56 [1] : vector<256x64xf32> to vector<256xf32>
    %broadcast_in_dim3A_58 = vector.shape_cast %reduce_max3A_57 : vector<256xf32> to vector<256x1xf32>
    %eq3A_59 = vector.broadcast %broadcast_in_dim3A_58 : vector<256x1xf32> to vector<256x64xf32>
    %eq3A_60 = arith.cmpf oeq, %select_n3A_55, %eq3A_59 : vector<256x64xf32>
    %jit3A_61 = arith.constant 64 : i32
    %broadcast_in_dim3A_62 = vector.broadcast %jit3A_61 : i32 to vector<256x64xi32>
    %select_n3A_63 = arith.select %eq3A_60, %iota3A, %broadcast_in_dim3A_62 : vector<256x64xi1>, vector<256x64xi32>
    %reduce_min3A_64 = arith.constant dense<2147483647> : vector<256xi32>
    %reduce_min3A_65 = vector.multi_reduction <minsi>, %select_n3A_63, %reduce_min3A_64 [1] : vector<256x64xi32> to vector<256xi32>
    %broadcast_in_dim3A_66 = vector.shape_cast %reduce_min3A_65 : vector<256xi32> to vector<256x1xi32>
    %sub3A_67 = arith.subf %broadcast_in_dim3A_58, %broadcast_in_dim3A_46 : vector<256x1xf32>
    %exp3A = math.exp %sub3A_67 : vector<256x1xf32>
    %add3A_68 = arith.constant 1.000000e+00 : f32
    %add3A_69 = vector.broadcast %add3A_68 : f32 to vector<256x1xf32>
    %add3A_70 = arith.addf %add3A_69, %exp3A : vector<256x1xf32>
    %div3A_71 = arith.constant 1.000000e+00 : f32
    %div3A_72 = vector.broadcast %div3A_71 : f32 to vector<256x1xf32>
    %div3A_73 = arith.divf %div3A_72, %add3A_70 : vector<256x1xf32>
    %mul3A_74 = arith.mulf %exp3A, %div3A_73 : vector<256x1xf32>
    %convert_element_type3A_75 = arith.sitofp %broadcast_in_dim3A_50 : vector<256x1xi32> to vector<256x1xf32>
    %convert_element_type3A_76 = arith.sitofp %broadcast_in_dim3A_66 : vector<256x1xi32> to vector<256x1xf32>
    %concatenate3A = tpu.concatenate %convert_element_type3A_75, %convert_element_type3A_76, %div3A_73, %mul3A_74 in 1 : vector<256x1xf32>, vector<256x1xf32>, vector<256x1xf32>, vector<256x1xf32> -> vector<256x4xf32>
    %swap3A_77 = arith.constant 0 : index
    %swap3A_78 = arith.constant 0 : index
    %swap3A_79 = vector.load %arg7[%swap3A_77, %swap3A_78] : memref<256x4xf32, #tpu.memory_space<vmem>>, vector<256x4xf32>
    tpu.vector_store %arg7[%swap3A_77, %swap3A_78], %concatenate3A {strides = array<i32>} : memref<256x4xf32, #tpu.memory_space<vmem>>, vector<256x4xf32>,
    return
  }
  func.func @transform_0(%arg0: i32) -> (i32, i32) {
    %c0_i32 = arith.constant 0 : i32
    %c0_i32_0 = arith.constant 0 : i32
    return %arg0, %c0_i32 : i32, i32
  }
  func.func @transform_1(%arg0: i32) -> (i32, i32) {
    %c0_i32 = arith.constant 0 : i32
    %c0_i32_0 = arith.constant 0 : i32
    %c0_i32_1 = arith.constant 0 : i32
    return %c0_i32, %c0_i32_0 : i32, i32
  }
  func.func @transform_2(%arg0: i32) -> (i32, i32) {
    %c0_i32 = arith.constant 0 : i32
    %c0_i32_0 = arith.constant 0 : i32
    %c0_i32_1 = arith.constant 0 : i32
    return %c0_i32, %c0_i32_0 : i32, i32
  }
  func.func @transform_3(%arg0: i32) -> (i32, i32) {
    %c0_i32 = arith.constant 0 : i32
    %c0_i32_0 = arith.constant 0 : i32
    %c0_i32_1 = arith.constant 0 : i32
    return %c0_i32, %c0_i32_0 : i32, i32
  }
  func.func @transform_4(%arg0: i32) -> (i32, i32) {
    %c0_i32 = arith.constant 0 : i32
    %c0_i32_0 = arith.constant 0 : i32
    %c0_i32_1 = arith.constant 0 : i32
    return %c0_i32, %c0_i32_0 : i32, i32
  }
  func.func @transform_5(%arg0: i32) -> (i32, i32) {
    %c0_i32 = arith.constant 0 : i32
    %c0_i32_0 = arith.constant 0 : i32
    return %arg0, %c0_i32 : i32, i32
  }
  func.func @transform_6(%arg0: i32) -> (i32, i32) {
    %c0_i32 = arith.constant 0 : i32
    %c0_i32_0 = arith.constant 0 : i32
    return %arg0, %c0_i32 : i32, i32
  }
}

module attributes {stable_mosaic.version = 14 : i64} {
  func.func @_pos_body(%arg0: memref<2048x4xf32, #tpu.memory_space<vmem>>, %arg1: memref<2048x2xi32, #tpu.memory_space<vmem>>, %arg2: memref<4096x1xi32, #tpu.memory_space<vmem>>, %arg3: memref<2048x2xf32, #tpu.memory_space<vmem>>) attributes {dimension_semantics = [], scalar_prefetch = 0 : i64, scratch_operands = 0 : i64, tpu.core_type = #tpu.core_type<tc>} {
    %get3A = arith.constant 0 : index
    %get3A_0 = arith.constant 0 : index
    %get3A_1 = vector.load %arg0[%get3A, %get3A_0] : memref<2048x4xf32, #tpu.memory_space<vmem>>, vector<2048x1xf32>
    %convert_element_type3A = arith.fptosi %get3A_1 : vector<2048x1xf32> to vector<2048x1xi32>
    %get3A_2 = arith.constant 0 : index
    %get3A_3 = arith.constant 1 : index
    %get3A_4 = vector.load %arg0[%get3A_2, %get3A_3] : memref<2048x4xf32, #tpu.memory_space<vmem>>, vector<2048x1xf32>
    %convert_element_type3A_5 = arith.fptosi %get3A_4 : vector<2048x1xf32> to vector<2048x1xi32>
    %iota3A = tpu.iota {dimensions = array<i32: 1>} : vector<2048x64xi32>
    %eq3A = vector.broadcast %convert_element_type3A : vector<2048x1xi32> to vector<2048x64xi32>
    %eq3A_6 = arith.cmpi eq, %eq3A, %iota3A : vector<2048x64xi32>
    %convert_element_type3A_7 = arith.extui %eq3A_6 : vector<2048x64xi1> to vector<2048x64xi32>
    %eq3A_8 = vector.broadcast %convert_element_type3A_5 : vector<2048x1xi32> to vector<2048x64xi32>
    %eq3A_9 = arith.cmpi eq, %eq3A_8, %iota3A : vector<2048x64xi32>
    %convert_element_type3A_10 = arith.extui %eq3A_9 : vector<2048x64xi1> to vector<2048x64xi32>
    %add3A = arith.addi %convert_element_type3A_7, %convert_element_type3A_10 : vector<2048x64xi32>
    %broadcast_in_dim3A = arith.constant 0 : i32
    %broadcast_in_dim3A_11 = vector.broadcast %broadcast_in_dim3A : i32 to vector<1x64xi32>
    %slice3A = vector.extract_strided_slice %add3A {offsets = [0, 0], sizes = [2047, 64], strides = [1, 1]} : vector<2048x64xi32> to vector<2047x64xi32>
    %concatenate3A = tpu.concatenate %broadcast_in_dim3A_11, %slice3A in 0 : vector<1x64xi32>, vector<2047x64xi32> -> vector<2048x64xi32>
    %add3A_12 = arith.addi %add3A, %concatenate3A : vector<2048x64xi32>
    %broadcast_in_dim3A_13 = arith.constant 0 : i32
    %broadcast_in_dim3A_14 = vector.broadcast %broadcast_in_dim3A_13 : i32 to vector<2x64xi32>
    %slice3A_15 = vector.extract_strided_slice %add3A_12 {offsets = [0, 0], sizes = [2046, 64], strides = [1, 1]} : vector<2048x64xi32> to vector<2046x64xi32>
    %concatenate3A_16 = tpu.concatenate %broadcast_in_dim3A_14, %slice3A_15 in 0 : vector<2x64xi32>, vector<2046x64xi32> -> vector<2048x64xi32>
    %add3A_17 = arith.addi %add3A_12, %concatenate3A_16 : vector<2048x64xi32>
    %broadcast_in_dim3A_18 = arith.constant 0 : i32
    %broadcast_in_dim3A_19 = vector.broadcast %broadcast_in_dim3A_18 : i32 to vector<4x64xi32>
    %slice3A_20 = vector.extract_strided_slice %add3A_17 {offsets = [0, 0], sizes = [2044, 64], strides = [1, 1]} : vector<2048x64xi32> to vector<2044x64xi32>
    %concatenate3A_21 = tpu.concatenate %broadcast_in_dim3A_19, %slice3A_20 in 0 : vector<4x64xi32>, vector<2044x64xi32> -> vector<2048x64xi32>
    %add3A_22 = arith.addi %add3A_17, %concatenate3A_21 : vector<2048x64xi32>
    %broadcast_in_dim3A_23 = arith.constant 0 : i32
    %broadcast_in_dim3A_24 = vector.broadcast %broadcast_in_dim3A_23 : i32 to vector<8x64xi32>
    %slice3A_25 = vector.extract_strided_slice %add3A_22 {offsets = [0, 0], sizes = [2040, 64], strides = [1, 1]} : vector<2048x64xi32> to vector<2040x64xi32>
    %concatenate3A_26 = tpu.concatenate %broadcast_in_dim3A_24, %slice3A_25 in 0 : vector<8x64xi32>, vector<2040x64xi32> -> vector<2048x64xi32>
    %add3A_27 = arith.addi %add3A_22, %concatenate3A_26 : vector<2048x64xi32>
    %broadcast_in_dim3A_28 = arith.constant 0 : i32
    %broadcast_in_dim3A_29 = vector.broadcast %broadcast_in_dim3A_28 : i32 to vector<16x64xi32>
    %slice3A_30 = vector.extract_strided_slice %add3A_27 {offsets = [0, 0], sizes = [2032, 64], strides = [1, 1]} : vector<2048x64xi32> to vector<2032x64xi32>
    %concatenate3A_31 = tpu.concatenate %broadcast_in_dim3A_29, %slice3A_30 in 0 : vector<16x64xi32>, vector<2032x64xi32> -> vector<2048x64xi32>
    %add3A_32 = arith.addi %add3A_27, %concatenate3A_31 : vector<2048x64xi32>
    %broadcast_in_dim3A_33 = arith.constant 0 : i32
    %broadcast_in_dim3A_34 = vector.broadcast %broadcast_in_dim3A_33 : i32 to vector<32x64xi32>
    %slice3A_35 = vector.extract_strided_slice %add3A_32 {offsets = [0, 0], sizes = [2016, 64], strides = [1, 1]} : vector<2048x64xi32> to vector<2016x64xi32>
    %concatenate3A_36 = tpu.concatenate %broadcast_in_dim3A_34, %slice3A_35 in 0 : vector<32x64xi32>, vector<2016x64xi32> -> vector<2048x64xi32>
    %add3A_37 = arith.addi %add3A_32, %concatenate3A_36 : vector<2048x64xi32>
    %broadcast_in_dim3A_38 = arith.constant 0 : i32
    %broadcast_in_dim3A_39 = vector.broadcast %broadcast_in_dim3A_38 : i32 to vector<64x64xi32>
    %slice3A_40 = vector.extract_strided_slice %add3A_37 {offsets = [0, 0], sizes = [1984, 64], strides = [1, 1]} : vector<2048x64xi32> to vector<1984x64xi32>
    %concatenate3A_41 = tpu.concatenate %broadcast_in_dim3A_39, %slice3A_40 in 0 : vector<64x64xi32>, vector<1984x64xi32> -> vector<2048x64xi32>
    %add3A_42 = arith.addi %add3A_37, %concatenate3A_41 : vector<2048x64xi32>
    %broadcast_in_dim3A_43 = arith.constant 0 : i32
    %broadcast_in_dim3A_44 = vector.broadcast %broadcast_in_dim3A_43 : i32 to vector<128x64xi32>
    %slice3A_45 = vector.extract_strided_slice %add3A_42 {offsets = [0, 0], sizes = [1920, 64], strides = [1, 1]} : vector<2048x64xi32> to vector<1920x64xi32>
    %concatenate3A_46 = tpu.concatenate %broadcast_in_dim3A_44, %slice3A_45 in 0 : vector<128x64xi32>, vector<1920x64xi32> -> vector<2048x64xi32>
    %add3A_47 = arith.addi %add3A_42, %concatenate3A_46 : vector<2048x64xi32>
    %broadcast_in_dim3A_48 = arith.constant 0 : i32
    %broadcast_in_dim3A_49 = vector.broadcast %broadcast_in_dim3A_48 : i32 to vector<256x64xi32>
    %slice3A_50 = vector.extract_strided_slice %add3A_47 {offsets = [0, 0], sizes = [1792, 64], strides = [1, 1]} : vector<2048x64xi32> to vector<1792x64xi32>
    %concatenate3A_51 = tpu.concatenate %broadcast_in_dim3A_49, %slice3A_50 in 0 : vector<256x64xi32>, vector<1792x64xi32> -> vector<2048x64xi32>
    %add3A_52 = arith.addi %add3A_47, %concatenate3A_51 : vector<2048x64xi32>
    %broadcast_in_dim3A_53 = arith.constant 0 : i32
    %broadcast_in_dim3A_54 = vector.broadcast %broadcast_in_dim3A_53 : i32 to vector<512x64xi32>
    %slice3A_55 = vector.extract_strided_slice %add3A_52 {offsets = [0, 0], sizes = [1536, 64], strides = [1, 1]} : vector<2048x64xi32> to vector<1536x64xi32>
    %concatenate3A_56 = tpu.concatenate %broadcast_in_dim3A_54, %slice3A_55 in 0 : vector<512x64xi32>, vector<1536x64xi32> -> vector<2048x64xi32>
    %add3A_57 = arith.addi %add3A_52, %concatenate3A_56 : vector<2048x64xi32>
    %broadcast_in_dim3A_58 = arith.constant 0 : i32
    %broadcast_in_dim3A_59 = vector.broadcast %broadcast_in_dim3A_58 : i32 to vector<1024x64xi32>
    %slice3A_60 = vector.extract_strided_slice %add3A_57 {offsets = [0, 0], sizes = [1024, 64], strides = [1, 1]} : vector<2048x64xi32> to vector<1024x64xi32>
    %concatenate3A_61 = tpu.concatenate %broadcast_in_dim3A_59, %slice3A_60 in 0 : vector<1024x64xi32>, vector<1024x64xi32> -> vector<2048x64xi32>
    %add3A_62 = arith.addi %add3A_57, %concatenate3A_61 : vector<2048x64xi32>
    %sub3A = arith.subi %add3A_62, %add3A : vector<2048x64xi32>
    %mul3A = arith.muli %sub3A, %convert_element_type3A_7 : vector<2048x64xi32>
    %reduce_sum3A = arith.constant dense<0> : vector<2048xi32>
    %reduce_sum3A_63 = vector.multi_reduction <add>, %mul3A, %reduce_sum3A [1] : vector<2048x64xi32> to vector<2048xi32>
    %broadcast_in_dim3A_64 = vector.shape_cast %reduce_sum3A_63 : vector<2048xi32> to vector<2048x1xi32>
    %mul3A_65 = arith.muli %sub3A, %convert_element_type3A_10 : vector<2048x64xi32>
    %reduce_sum3A_66 = arith.constant dense<0> : vector<2048xi32>
    %reduce_sum3A_67 = vector.multi_reduction <add>, %mul3A_65, %reduce_sum3A_66 [1] : vector<2048x64xi32> to vector<2048xi32>
    %broadcast_in_dim3A_68 = vector.shape_cast %reduce_sum3A_67 : vector<2048xi32> to vector<2048x1xi32>
    %lt3A = arith.constant 96 : i32
    %lt3A_69 = vector.broadcast %lt3A : i32 to vector<2048x1xi32>
    %lt3A_70 = arith.cmpi slt, %broadcast_in_dim3A_64, %lt3A_69 : vector<2048x1xi32>
    %lt3A_71 = arith.constant 96 : i32
    %lt3A_72 = vector.broadcast %lt3A_71 : i32 to vector<2048x1xi32>
    %lt3A_73 = arith.cmpi slt, %broadcast_in_dim3A_68, %lt3A_72 : vector<2048x1xi32>
    %mul3A_74 = arith.constant 96 : i32
    %mul3A_75 = vector.broadcast %mul3A_74 : i32 to vector<2048x1xi32>
    %mul3A_76 = arith.muli %convert_element_type3A, %mul3A_75 : vector<2048x1xi32>
    %min3A = arith.constant 95 : i32
    %min3A_77 = vector.broadcast %min3A : i32 to vector<2048x1xi32>
    %min3A_78 = arith.minsi %broadcast_in_dim3A_64, %min3A_77 : vector<2048x1xi32>
    %add3A_79 = arith.addi %mul3A_76, %min3A_78 : vector<2048x1xi32>
    %mul3A_80 = arith.constant 96 : i32
    %mul3A_81 = vector.broadcast %mul3A_80 : i32 to vector<2048x1xi32>
    %mul3A_82 = arith.muli %convert_element_type3A_5, %mul3A_81 : vector<2048x1xi32>
    %min3A_83 = arith.constant 95 : i32
    %min3A_84 = vector.broadcast %min3A_83 : i32 to vector<2048x1xi32>
    %min3A_85 = arith.minsi %broadcast_in_dim3A_68, %min3A_84 : vector<2048x1xi32>
    %add3A_86 = arith.addi %mul3A_82, %min3A_85 : vector<2048x1xi32>
    %jit3A = arith.constant 6144 : i32
    %broadcast_in_dim3A_87 = vector.broadcast %jit3A : i32 to vector<2048x1xi32>
    %select_n3A = arith.select %lt3A_70, %add3A_79, %broadcast_in_dim3A_87 : vector<2048x1xi1>, vector<2048x1xi32>
    %jit3A_88 = arith.constant 6144 : i32
    %broadcast_in_dim3A_89 = vector.broadcast %jit3A_88 : i32 to vector<2048x1xi32>
    %select_n3A_90 = arith.select %lt3A_73, %add3A_86, %broadcast_in_dim3A_89 : vector<2048x1xi1>, vector<2048x1xi32>
    %concatenate3A_91 = tpu.concatenate %select_n3A, %select_n3A_90 in 1 : vector<2048x1xi32>, vector<2048x1xi32> -> vector<2048x2xi32>
    %swap3A = arith.constant 0 : index
    %swap3A_92 = arith.constant 0 : index
    %swap3A_93 = vector.load %arg1[%swap3A, %swap3A_92] : memref<2048x2xi32, #tpu.memory_space<vmem>>, vector<2048x2xi32>
    tpu.vector_store %arg1[%swap3A, %swap3A_92], %concatenate3A_91 {strides = array<i32>} : memref<2048x2xi32, #tpu.memory_space<vmem>>, vector<2048x2xi32>,
    %concatenate3A_94 = tpu.concatenate %add3A_79, %add3A_86 in 0 : vector<2048x1xi32>, vector<2048x1xi32> -> vector<4096x1xi32>
    %swap3A_95 = arith.constant 0 : index
    %swap3A_96 = arith.constant 0 : index
    %swap3A_97 = vector.load %arg2[%swap3A_95, %swap3A_96] : memref<4096x1xi32, #tpu.memory_space<vmem>>, vector<4096x1xi32>
    tpu.vector_store %arg2[%swap3A_95, %swap3A_96], %concatenate3A_94 {strides = array<i32>} : memref<4096x1xi32, #tpu.memory_space<vmem>>, vector<4096x1xi32>,
    %convert_element_type3A_98 = arith.extui %lt3A_70 : vector<2048x1xi1> to vector<2048x1xi32>
    %convert_element_type3A_99 = arith.sitofp %convert_element_type3A_98 : vector<2048x1xi32> to vector<2048x1xf32>
    %convert_element_type3A_100 = arith.extui %lt3A_73 : vector<2048x1xi1> to vector<2048x1xi32>
    %convert_element_type3A_101 = arith.sitofp %convert_element_type3A_100 : vector<2048x1xi32> to vector<2048x1xf32>
    %concatenate3A_102 = tpu.concatenate %convert_element_type3A_99, %convert_element_type3A_101 in 1 : vector<2048x1xf32>, vector<2048x1xf32> -> vector<2048x2xf32>
    %swap3A_103 = arith.constant 0 : index
    %swap3A_104 = arith.constant 0 : index
    %swap3A_105 = vector.load %arg3[%swap3A_103, %swap3A_104] : memref<2048x2xf32, #tpu.memory_space<vmem>>, vector<2048x2xf32>
    tpu.vector_store %arg3[%swap3A_103, %swap3A_104], %concatenate3A_102 {strides = array<i32>} : memref<2048x2xf32, #tpu.memory_space<vmem>>, vector<2048x2xf32>,
    return
  }
}

module attributes {stable_mosaic.version = 14 : i64} {
  func.func @_experts_body(%arg0: i32, %arg1: memref<96x512xf32, #tpu.memory_space<vmem>>, %arg2: memref<1x1024x512xf32, #tpu.memory_space<vmem>>, %arg3: memref<1x1x512xf32, #tpu.memory_space<vmem>>, %arg4: memref<1x512x1024xf32, #tpu.memory_space<vmem>>, %arg5: memref<1x1x1024xf32, #tpu.memory_space<vmem>>, %arg6: memref<96x512xf32, #tpu.memory_space<vmem>>) attributes {dimension_semantics = [#tpu.dimension_semantics<arbitrary>], iteration_bounds = array<i64: 64>, scalar_prefetch = 0 : i64, scratch_operands = 0 : i64, tpu.core_type = #tpu.core_type<tc>, window_params = [{transform_indices = @transform_0, window_bounds = array<i64: 96, 512>}, {transform_indices = @transform_1, window_bounds = array<i64: 1, 1024, 512>}, {transform_indices = @transform_2, window_bounds = array<i64: 1, 1, 512>}, {transform_indices = @transform_3, window_bounds = array<i64: 1, 512, 1024>}, {transform_indices = @transform_4, window_bounds = array<i64: 1, 1, 1024>}, {transform_indices = @transform_5, window_bounds = array<i64: 96, 512>}]} {
    %get3A = arith.constant 0 : index
    %get3A_0 = arith.constant 0 : index
    %get3A_1 = vector.load %arg1[%get3A, %get3A_0] : memref<96x512xf32, #tpu.memory_space<vmem>>, vector<96x512xf32>
    %bitcast_convert_type3A = tpu.bitcast %get3A_1 : vector<96x512xf32> -> vector<96x512xi32>
    %shift_left3A = arith.constant 16 : i32
    %shift_left3A_2 = vector.broadcast %shift_left3A : i32 to vector<96x512xi32>
    %shift_left3A_3 = arith.shli %bitcast_convert_type3A, %shift_left3A_2 : vector<96x512xi32>
    %bitcast_convert_type3A_4 = tpu.bitcast %shift_left3A_3 : vector<96x512xi32> -> vector<96x512xf32>
    %get3A_5 = arith.constant 0 : index
    %get3A_6 = arith.constant 0 : index
    %get3A_7 = arith.constant 0 : index
    %get3A_8 = vector.load %arg2[%get3A_5, %get3A_6, %get3A_7] : memref<1x1024x512xf32, #tpu.memory_space<vmem>>, vector<1x512x512xf32>
    %get3A_9 = vector.shape_cast %get3A_8 : vector<1x512x512xf32> to vector<512x512xf32>
    %dot_general3A = arith.constant dense<0.000000e+00> : vector<96x512xf32>
    %dot_general3A_10 = tpu.matmul %bitcast_convert_type3A_4, %get3A_9, %dot_general3A {dimension_numbers = #tpu.dot_dimension_numbers<[1], [0], [0], [1], [0, 0, 1, 1], [], []>, transpose_lhs_hint = false} : vector<96x512xf32>, vector<512x512xf32>, vector<96x512xf32> -> vector<96x512xf32>
    %bitcast_convert_type3A_11 = tpu.bitcast %get3A_1 : vector<96x512xf32> -> vector<96x512xi32>
    %and3A = arith.constant -65536 : i32
    %and3A_12 = vector.broadcast %and3A : i32 to vector<96x512xi32>
    %and3A_13 = arith.andi %bitcast_convert_type3A_11, %and3A_12 : vector<96x512xi32>
    %bitcast_convert_type3A_14 = tpu.bitcast %and3A_13 : vector<96x512xi32> -> vector<96x512xf32>
    %get3A_15 = arith.constant 0 : index
    %get3A_16 = arith.constant 512 : index
    %get3A_17 = arith.constant 0 : index
    %get3A_18 = vector.load %arg2[%get3A_15, %get3A_16, %get3A_17] : memref<1x1024x512xf32, #tpu.memory_space<vmem>>, vector<1x512x512xf32>
    %get3A_19 = vector.shape_cast %get3A_18 : vector<1x512x512xf32> to vector<512x512xf32>
    %dot_general3A_20 = arith.constant dense<0.000000e+00> : vector<96x512xf32>
    %dot_general3A_21 = tpu.matmul %bitcast_convert_type3A_14, %get3A_19, %dot_general3A_20 {dimension_numbers = #tpu.dot_dimension_numbers<[1], [0], [0], [1], [0, 0, 1, 1], [], []>, transpose_lhs_hint = false} : vector<96x512xf32>, vector<512x512xf32>, vector<96x512xf32> -> vector<96x512xf32>
    %add3A = arith.addf %dot_general3A_10, %dot_general3A_21 : vector<96x512xf32>
    %get3A_22 = arith.constant 0 : index
    %get3A_23 = arith.constant 0 : index
    %get3A_24 = arith.constant 0 : index
    %get3A_25 = vector.load %arg3[%get3A_22, %get3A_23, %get3A_24] : memref<1x1x512xf32, #tpu.memory_space<vmem>>, vector<1x1x512xf32>
    %get3A_26 = vector.shape_cast %get3A_25 : vector<1x1x512xf32> to vector<1x512xf32>
    %add3A_27 = vector.broadcast %get3A_26 : vector<1x512xf32> to vector<96x512xf32>
    %add3A_28 = arith.addf %add3A, %add3A_27 : vector<96x512xf32>
    %mul3A = arith.constant 5.000000e-01 : f32
    %mul3A_29 = vector.broadcast %mul3A : f32 to vector<96x512xf32>
    %mul3A_30 = arith.mulf %mul3A_29, %add3A_28 : vector<96x512xf32>
    %mul3A_31 = arith.constant 0.707106769 : f32
    %mul3A_32 = vector.broadcast %mul3A_31 : f32 to vector<96x512xf32>
    %mul3A_33 = arith.mulf %add3A_28, %mul3A_32 : vector<96x512xf32>
    %erf3A = math.erf %mul3A_33 : vector<96x512xf32>
    %add3A_34 = arith.constant 1.000000e+00 : f32
    %add3A_35 = vector.broadcast %add3A_34 : f32 to vector<96x512xf32>
    %add3A_36 = arith.addf %add3A_35, %erf3A : vector<96x512xf32>
    %mul3A_37 = arith.mulf %mul3A_30, %add3A_36 : vector<96x512xf32>
    %get3A_38 = arith.constant 0 : index
    %get3A_39 = arith.constant 0 : index
    %get3A_40 = arith.constant 0 : index
    %get3A_41 = vector.load %arg4[%get3A_38, %get3A_39, %get3A_40] : memref<1x512x1024xf32, #tpu.memory_space<vmem>>, vector<1x512x1024xf32>
    %get3A_42 = vector.shape_cast %get3A_41 : vector<1x512x1024xf32> to vector<512x1024xf32>
    %dot_general3A_43 = arith.constant dense<0.000000e+00> : vector<96x1024xf32>
    %dot_general3A_44 = tpu.matmul %mul3A_37, %get3A_42, %dot_general3A_43 {dimension_numbers = #tpu.dot_dimension_numbers<[1], [0], [0], [1], [0, 0, 1, 1], [], []>, transpose_lhs_hint = false} : vector<96x512xf32>, vector<512x1024xf32>, vector<96x1024xf32> -> vector<96x1024xf32>
    %get3A_45 = arith.constant 0 : index
    %get3A_46 = arith.constant 0 : index
    %get3A_47 = arith.constant 0 : index
    %get3A_48 = vector.load %arg5[%get3A_45, %get3A_46, %get3A_47] : memref<1x1x1024xf32, #tpu.memory_space<vmem>>, vector<1x1x1024xf32>
    %get3A_49 = vector.shape_cast %get3A_48 : vector<1x1x1024xf32> to vector<1x1024xf32>
    %add3A_50 = vector.broadcast %get3A_49 : vector<1x1024xf32> to vector<96x1024xf32>
    %add3A_51 = arith.addf %dot_general3A_44, %add3A_50 : vector<96x1024xf32>
    %slice3A = vector.extract_strided_slice %add3A_51 {offsets = [0, 0], sizes = [96, 512], strides = [1, 1]} : vector<96x1024xf32> to vector<96x512xf32>
    %slice3A_52 = vector.extract_strided_slice %add3A_51 {offsets = [0, 512], sizes = [96, 512], strides = [1, 1]} : vector<96x1024xf32> to vector<96x512xf32>
    %convert_element_type3A = arith.truncf %slice3A : vector<96x512xf32> to vector<96x512xbf16>
    %bitcast_convert_type3A_53 = tpu.bitcast %convert_element_type3A : vector<96x512xbf16> -> vector<96x512xi16>
    %convert_element_type3A_54 = arith.extui %bitcast_convert_type3A_53 : vector<96x512xi16> to vector<96x512xi32>
    %convert_element_type3A_55 = arith.truncf %slice3A_52 : vector<96x512xf32> to vector<96x512xbf16>
    %bitcast_convert_type3A_56 = tpu.bitcast %convert_element_type3A_55 : vector<96x512xbf16> -> vector<96x512xi16>
    %convert_element_type3A_57 = arith.extui %bitcast_convert_type3A_56 : vector<96x512xi16> to vector<96x512xi32>
    %shift_left3A_58 = arith.constant 16 : i32
    %shift_left3A_59 = vector.broadcast %shift_left3A_58 : i32 to vector<96x512xi32>
    %shift_left3A_60 = arith.shli %convert_element_type3A_57, %shift_left3A_59 : vector<96x512xi32>
    %or3A = arith.ori %shift_left3A_60, %convert_element_type3A_54 : vector<96x512xi32>
    %bitcast_convert_type3A_61 = tpu.bitcast %or3A : vector<96x512xi32> -> vector<96x512xf32>
    %swap3A = arith.constant 0 : index
    %swap3A_62 = arith.constant 0 : index
    %swap3A_63 = vector.load %arg6[%swap3A, %swap3A_62] : memref<96x512xf32, #tpu.memory_space<vmem>>, vector<96x512xf32>
    tpu.vector_store %arg6[%swap3A, %swap3A_62], %bitcast_convert_type3A_61 {strides = array<i32>} : memref<96x512xf32, #tpu.memory_space<vmem>>, vector<96x512xf32>,
    return
  }
  func.func @transform_0(%arg0: i32) -> (i32, i32) {
    %c0_i32 = arith.constant 0 : i32
    %c0_i32_0 = arith.constant 0 : i32
    return %arg0, %c0_i32 : i32, i32
  }
  func.func @transform_1(%arg0: i32) -> (i32, i32, i32) {
    %c0_i32 = arith.constant 0 : i32
    %c0_i32_0 = arith.constant 0 : i32
    %c0_i32_1 = arith.constant 0 : i32
    return %arg0, %c0_i32, %c0_i32_0 : i32, i32, i32
  }
  func.func @transform_2(%arg0: i32) -> (i32, i32, i32) {
    %c0_i32 = arith.constant 0 : i32
    %c0_i32_0 = arith.constant 0 : i32
    %c0_i32_1 = arith.constant 0 : i32
    return %arg0, %c0_i32, %c0_i32_0 : i32, i32, i32
  }
  func.func @transform_3(%arg0: i32) -> (i32, i32, i32) {
    %c0_i32 = arith.constant 0 : i32
    %c0_i32_0 = arith.constant 0 : i32
    %c0_i32_1 = arith.constant 0 : i32
    return %arg0, %c0_i32, %c0_i32_0 : i32, i32, i32
  }
  func.func @transform_4(%arg0: i32) -> (i32, i32, i32) {
    %c0_i32 = arith.constant 0 : i32
    %c0_i32_0 = arith.constant 0 : i32
    %c0_i32_1 = arith.constant 0 : i32
    return %arg0, %c0_i32, %c0_i32_0 : i32, i32, i32
  }
  func.func @transform_5(%arg0: i32) -> (i32, i32) {
    %c0_i32 = arith.constant 0 : i32
    %c0_i32_0 = arith.constant 0 : i32
    return %arg0, %c0_i32 : i32, i32
  }
}

module attributes {stable_mosaic.version = 14 : i64} {
  func.func @_final_body(%arg0: i32, %arg1: memref<256x1024xf32, #tpu.memory_space<vmem>>, %arg2: memref<1x1024xf32, #tpu.memory_space<vmem>>, %arg3: memref<1x1024xf32, #tpu.memory_space<vmem>>, %arg4: memref<256x512xf32, #tpu.memory_space<vmem>>, %arg5: memref<256x512xf32, #tpu.memory_space<vmem>>, %arg6: memref<256x4xf32, #tpu.memory_space<vmem>>, %arg7: memref<256x2xf32, #tpu.memory_space<vmem>>, %arg8: memref<1024x1024xf32, #tpu.memory_space<vmem>>, %arg9: memref<1x1024xf32, #tpu.memory_space<vmem>>, %arg10: memref<1024x1024xf32, #tpu.memory_space<vmem>>, %arg11: memref<1x1024xf32, #tpu.memory_space<vmem>>, %arg12: memref<256x1024xf32, #tpu.memory_space<vmem>>) attributes {dimension_semantics = [#tpu.dimension_semantics<arbitrary>], iteration_bounds = array<i64: 8>, scalar_prefetch = 0 : i64, scratch_operands = 0 : i64, tpu.core_type = #tpu.core_type<tc>, window_params = [{transform_indices = @transform_0, window_bounds = array<i64: 256, 1024>}, {pipeline_mode = #tpu.pipeline_mode<synchronous>, transform_indices = @transform_1, window_bounds = array<i64: 1, 1024>}, {pipeline_mode = #tpu.pipeline_mode<synchronous>, transform_indices = @transform_2, window_bounds = array<i64: 1, 1024>}, {transform_indices = @transform_3, window_bounds = array<i64: 256, 512>}, {transform_indices = @transform_4, window_bounds = array<i64: 256, 512>}, {transform_indices = @transform_5, window_bounds = array<i64: 256, 4>}, {transform_indices = @transform_6, window_bounds = array<i64: 256, 2>}, {pipeline_mode = #tpu.pipeline_mode<synchronous>, transform_indices = @transform_7, window_bounds = array<i64: 1024, 1024>}, {pipeline_mode = #tpu.pipeline_mode<synchronous>, transform_indices = @transform_8, window_bounds = array<i64: 1, 1024>}, {pipeline_mode = #tpu.pipeline_mode<synchronous>, transform_indices = @transform_9, window_bounds = array<i64: 1024, 1024>}, {pipeline_mode = #tpu.pipeline_mode<synchronous>, transform_indices = @transform_10, window_bounds = array<i64: 1, 1024>}, {transform_indices = @transform_11, window_bounds = array<i64: 256, 1024>}]} {
    %get3A = arith.constant 0 : index
    %get3A_0 = arith.constant 0 : index
    %get3A_1 = vector.load %arg1[%get3A, %get3A_0] : memref<256x1024xf32, #tpu.memory_space<vmem>>, vector<256x1024xf32>
    %get3A_2 = arith.constant 0 : index
    %get3A_3 = arith.constant 0 : index
    %get3A_4 = vector.load %arg2[%get3A_2, %get3A_3] : memref<1x1024xf32, #tpu.memory_space<vmem>>, vector<1x1024xf32>
    %get3A_5 = arith.constant 0 : index
    %get3A_6 = arith.constant 0 : index
    %get3A_7 = vector.load %arg3[%get3A_5, %get3A_6] : memref<1x1024xf32, #tpu.memory_space<vmem>>, vector<1x1024xf32>
    %reduce_sum3A = arith.constant dense<0.000000e+00> : vector<256xf32>
    %reduce_sum3A_8 = vector.multi_reduction <add>, %get3A_1, %reduce_sum3A [1] : vector<256x1024xf32> to vector<256xf32>
    %broadcast_in_dim3A = vector.shape_cast %reduce_sum3A_8 : vector<256xf32> to vector<256x1xf32>
    %div3A = arith.constant 1.024000e+03 : f32
    %div3A_9 = vector.broadcast %div3A : f32 to vector<256x1xf32>
    %div3A_10 = arith.divf %broadcast_in_dim3A, %div3A_9 : vector<256x1xf32>
    %sub3A = vector.broadcast %div3A_10 : vector<256x1xf32> to vector<256x1024xf32>
    %sub3A_11 = arith.subf %get3A_1, %sub3A : vector<256x1024xf32>
    %mul3A = arith.mulf %sub3A_11, %sub3A_11 : vector<256x1024xf32>
    %reduce_sum3A_12 = arith.constant dense<0.000000e+00> : vector<256xf32>
    %reduce_sum3A_13 = vector.multi_reduction <add>, %mul3A, %reduce_sum3A_12 [1] : vector<256x1024xf32> to vector<256xf32>
    %broadcast_in_dim3A_14 = vector.shape_cast %reduce_sum3A_13 : vector<256xf32> to vector<256x1xf32>
    %div3A_15 = arith.constant 1.024000e+03 : f32
    %div3A_16 = vector.broadcast %div3A_15 : f32 to vector<256x1xf32>
    %div3A_17 = arith.divf %broadcast_in_dim3A_14, %div3A_16 : vector<256x1xf32>
    %add3A = arith.constant 9.99999974E-6 : f32
    %add3A_18 = vector.broadcast %add3A : f32 to vector<256x1xf32>
    %add3A_19 = arith.addf %div3A_17, %add3A_18 : vector<256x1xf32>
    %rsqrt3A = math.rsqrt %add3A_19 : vector<256x1xf32>
    %mul3A_20 = vector.broadcast %rsqrt3A : vector<256x1xf32> to vector<256x1024xf32>
    %mul3A_21 = arith.mulf %sub3A_11, %mul3A_20 : vector<256x1024xf32>
    %mul3A_22 = vector.broadcast %get3A_4 : vector<1x1024xf32> to vector<256x1024xf32>
    %mul3A_23 = arith.mulf %mul3A_21, %mul3A_22 : vector<256x1024xf32>
    %add3A_24 = vector.broadcast %get3A_7 : vector<1x1024xf32> to vector<256x1024xf32>
    %add3A_25 = arith.addf %mul3A_23, %add3A_24 : vector<256x1024xf32>
    %get3A_26 = arith.constant 0 : index
    %get3A_27 = arith.constant 0 : index
    %get3A_28 = vector.load %arg8[%get3A_26, %get3A_27] : memref<1024x1024xf32, #tpu.memory_space<vmem>>, vector<1024x1024xf32>
    %dot_general3A = arith.constant dense<0.000000e+00> : vector<256x1024xf32>
    %dot_general3A_29 = tpu.matmul %add3A_25, %get3A_28, %dot_general3A {dimension_numbers = #tpu.dot_dimension_numbers<[1], [0], [0], [1], [0, 0, 1, 1], [], []>, transpose_lhs_hint = false} : vector<256x1024xf32>, vector<1024x1024xf32>, vector<256x1024xf32> -> vector<256x1024xf32>
    %get3A_30 = arith.constant 0 : index
    %get3A_31 = arith.constant 0 : index
    %get3A_32 = vector.load %arg9[%get3A_30, %get3A_31] : memref<1x1024xf32, #tpu.memory_space<vmem>>, vector<1x1024xf32>
    %add3A_33 = vector.broadcast %get3A_32 : vector<1x1024xf32> to vector<256x1024xf32>
    %add3A_34 = arith.addf %dot_general3A_29, %add3A_33 : vector<256x1024xf32>
    %mul3A_35 = arith.constant 5.000000e-01 : f32
    %mul3A_36 = vector.broadcast %mul3A_35 : f32 to vector<256x1024xf32>
    %mul3A_37 = arith.mulf %mul3A_36, %add3A_34 : vector<256x1024xf32>
    %mul3A_38 = arith.constant 0.707106769 : f32
    %mul3A_39 = vector.broadcast %mul3A_38 : f32 to vector<256x1024xf32>
    %mul3A_40 = arith.mulf %add3A_34, %mul3A_39 : vector<256x1024xf32>
    %erf3A = math.erf %mul3A_40 : vector<256x1024xf32>
    %add3A_41 = arith.constant 1.000000e+00 : f32
    %add3A_42 = vector.broadcast %add3A_41 : f32 to vector<256x1024xf32>
    %add3A_43 = arith.addf %add3A_42, %erf3A : vector<256x1024xf32>
    %mul3A_44 = arith.mulf %mul3A_37, %add3A_43 : vector<256x1024xf32>
    %get3A_45 = arith.constant 0 : index
    %get3A_46 = arith.constant 0 : index
    %get3A_47 = vector.load %arg1[%get3A_45, %get3A_46] : memref<256x1024xf32, #tpu.memory_space<vmem>>, vector<256x1024xf32>
    %get3A_48 = arith.constant 0 : index
    %get3A_49 = arith.constant 0 : index
    %get3A_50 = vector.load %arg10[%get3A_48, %get3A_49] : memref<1024x1024xf32, #tpu.memory_space<vmem>>, vector<1024x1024xf32>
    %dot_general3A_51 = arith.constant dense<0.000000e+00> : vector<256x1024xf32>
    %dot_general3A_52 = tpu.matmul %mul3A_44, %get3A_50, %dot_general3A_51 {dimension_numbers = #tpu.dot_dimension_numbers<[1], [0], [0], [1], [0, 0, 1, 1], [], []>, transpose_lhs_hint = false} : vector<256x1024xf32>, vector<1024x1024xf32>, vector<256x1024xf32> -> vector<256x1024xf32>
    %add3A_53 = arith.addf %get3A_47, %dot_general3A_52 : vector<256x1024xf32>
    %get3A_54 = arith.constant 0 : index
    %get3A_55 = arith.constant 0 : index
    %get3A_56 = vector.load %arg11[%get3A_54, %get3A_55] : memref<1x1024xf32, #tpu.memory_space<vmem>>, vector<1x1024xf32>
    %add3A_57 = vector.broadcast %get3A_56 : vector<1x1024xf32> to vector<256x1024xf32>
    %add3A_58 = arith.addf %add3A_53, %add3A_57 : vector<256x1024xf32>
    %get3A_59 = arith.constant 0 : index
    %get3A_60 = arith.constant 2 : index
    %get3A_61 = vector.load %arg6[%get3A_59, %get3A_60] : memref<256x4xf32, #tpu.memory_space<vmem>>, vector<256x1xf32>
    %get3A_62 = arith.constant 0 : index
    %get3A_63 = arith.constant 0 : index
    %get3A_64 = vector.load %arg7[%get3A_62, %get3A_63] : memref<256x2xf32, #tpu.memory_space<vmem>>, vector<256x1xf32>
    %mul3A_65 = arith.mulf %get3A_61, %get3A_64 : vector<256x1xf32>
    %get3A_66 = arith.constant 0 : index
    %get3A_67 = arith.constant 3 : index
    %get3A_68 = vector.load %arg6[%get3A_66, %get3A_67] : memref<256x4xf32, #tpu.memory_space<vmem>>, vector<256x1xf32>
    %get3A_69 = arith.constant 0 : index
    %get3A_70 = arith.constant 1 : index
    %get3A_71 = vector.load %arg7[%get3A_69, %get3A_70] : memref<256x2xf32, #tpu.memory_space<vmem>>, vector<256x1xf32>
    %mul3A_72 = arith.mulf %get3A_68, %get3A_71 : vector<256x1xf32>
    %get3A_73 = arith.constant 0 : index
    %get3A_74 = arith.constant 0 : index
    %get3A_75 = vector.load %arg4[%get3A_73, %get3A_74] : memref<256x512xf32, #tpu.memory_space<vmem>>, vector<256x512xf32>
    %get3A_76 = arith.constant 0 : index
    %get3A_77 = arith.constant 0 : index
    %get3A_78 = vector.load %arg5[%get3A_76, %get3A_77] : memref<256x512xf32, #tpu.memory_space<vmem>>, vector<256x512xf32>
    %slice3A = vector.extract_strided_slice %add3A_58 {offsets = [0, 0], sizes = [256, 512], strides = [1, 1]} : vector<256x1024xf32> to vector<256x512xf32>
    %bitcast_convert_type3A = tpu.bitcast %get3A_75 : vector<256x512xf32> -> vector<256x512xi32>
    %shift_left3A = arith.constant 16 : i32
    %shift_left3A_79 = vector.broadcast %shift_left3A : i32 to vector<256x512xi32>
    %shift_left3A_80 = arith.shli %bitcast_convert_type3A, %shift_left3A_79 : vector<256x512xi32>
    %bitcast_convert_type3A_81 = tpu.bitcast %shift_left3A_80 : vector<256x512xi32> -> vector<256x512xf32>
    %mul3A_82 = vector.broadcast %mul3A_65 : vector<256x1xf32> to vector<256x512xf32>
    %mul3A_83 = arith.mulf %mul3A_82, %bitcast_convert_type3A_81 : vector<256x512xf32>
    %bitcast_convert_type3A_84 = tpu.bitcast %get3A_78 : vector<256x512xf32> -> vector<256x512xi32>
    %shift_left3A_85 = arith.constant 16 : i32
    %shift_left3A_86 = vector.broadcast %shift_left3A_85 : i32 to vector<256x512xi32>
    %shift_left3A_87 = arith.shli %bitcast_convert_type3A_84, %shift_left3A_86 : vector<256x512xi32>
    %bitcast_convert_type3A_88 = tpu.bitcast %shift_left3A_87 : vector<256x512xi32> -> vector<256x512xf32>
    %mul3A_89 = vector.broadcast %mul3A_72 : vector<256x1xf32> to vector<256x512xf32>
    %mul3A_90 = arith.mulf %mul3A_89, %bitcast_convert_type3A_88 : vector<256x512xf32>
    %add3A_91 = arith.addf %mul3A_83, %mul3A_90 : vector<256x512xf32>
    %mul3A_92 = arith.constant 5.000000e-01 : f32
    %mul3A_93 = vector.broadcast %mul3A_92 : f32 to vector<256x512xf32>
    %mul3A_94 = arith.mulf %mul3A_93, %add3A_91 : vector<256x512xf32>
    %add3A_95 = arith.addf %slice3A, %mul3A_94 : vector<256x512xf32>
    %swap3A = arith.constant 0 : index
    %swap3A_96 = arith.constant 0 : index
    %swap3A_97 = vector.load %arg12[%swap3A, %swap3A_96] : memref<256x1024xf32, #tpu.memory_space<vmem>>, vector<256x512xf32>
    tpu.vector_store %arg12[%swap3A, %swap3A_96], %add3A_95 {strides = array<i32>} : memref<256x1024xf32, #tpu.memory_space<vmem>>, vector<256x512xf32>,
    %slice3A_98 = vector.extract_strided_slice %add3A_58 {offsets = [0, 512], sizes = [256, 512], strides = [1, 1]} : vector<256x1024xf32> to vector<256x512xf32>
    %bitcast_convert_type3A_99 = tpu.bitcast %get3A_75 : vector<256x512xf32> -> vector<256x512xi32>
    %and3A = arith.constant -65536 : i32
    %and3A_100 = vector.broadcast %and3A : i32 to vector<256x512xi32>
    %and3A_101 = arith.andi %bitcast_convert_type3A_99, %and3A_100 : vector<256x512xi32>
    %bitcast_convert_type3A_102 = tpu.bitcast %and3A_101 : vector<256x512xi32> -> vector<256x512xf32>
    %mul3A_103 = vector.broadcast %mul3A_65 : vector<256x1xf32> to vector<256x512xf32>
    %mul3A_104 = arith.mulf %mul3A_103, %bitcast_convert_type3A_102 : vector<256x512xf32>
    %bitcast_convert_type3A_105 = tpu.bitcast %get3A_78 : vector<256x512xf32> -> vector<256x512xi32>
    %and3A_106 = arith.constant -65536 : i32
    %and3A_107 = vector.broadcast %and3A_106 : i32 to vector<256x512xi32>
    %and3A_108 = arith.andi %bitcast_convert_type3A_105, %and3A_107 : vector<256x512xi32>
    %bitcast_convert_type3A_109 = tpu.bitcast %and3A_108 : vector<256x512xi32> -> vector<256x512xf32>
    %mul3A_110 = vector.broadcast %mul3A_72 : vector<256x1xf32> to vector<256x512xf32>
    %mul3A_111 = arith.mulf %mul3A_110, %bitcast_convert_type3A_109 : vector<256x512xf32>
    %add3A_112 = arith.addf %mul3A_104, %mul3A_111 : vector<256x512xf32>
    %mul3A_113 = arith.constant 5.000000e-01 : f32
    %mul3A_114 = vector.broadcast %mul3A_113 : f32 to vector<256x512xf32>
    %mul3A_115 = arith.mulf %mul3A_114, %add3A_112 : vector<256x512xf32>
    %add3A_116 = arith.addf %slice3A_98, %mul3A_115 : vector<256x512xf32>
    %swap3A_117 = arith.constant 0 : index
    %swap3A_118 = arith.constant 512 : index
    %swap3A_119 = vector.load %arg12[%swap3A_117, %swap3A_118] : memref<256x1024xf32, #tpu.memory_space<vmem>>, vector<256x512xf32>
    tpu.vector_store %arg12[%swap3A_117, %swap3A_118], %add3A_116 {strides = array<i32>} : memref<256x1024xf32, #tpu.memory_space<vmem>>, vector<256x512xf32>,
    return
  }
  func.func @transform_0(%arg0: i32) -> (i32, i32) {
    %c0_i32 = arith.constant 0 : i32
    %c0_i32_0 = arith.constant 0 : i32
    return %arg0, %c0_i32 : i32, i32
  }
  func.func @transform_1(%arg0: i32) -> (i32, i32) {
    %c0_i32 = arith.constant 0 : i32
    %c0_i32_0 = arith.constant 0 : i32
    %c0_i32_1 = arith.constant 0 : i32
    return %c0_i32, %c0_i32_0 : i32, i32
  }
  func.func @transform_2(%arg0: i32) -> (i32, i32) {
    %c0_i32 = arith.constant 0 : i32
    %c0_i32_0 = arith.constant 0 : i32
    %c0_i32_1 = arith.constant 0 : i32
    return %c0_i32, %c0_i32_0 : i32, i32
  }
  func.func @transform_3(%arg0: i32) -> (i32, i32) {
    %c0_i32 = arith.constant 0 : i32
    %c0_i32_0 = arith.constant 0 : i32
    return %arg0, %c0_i32 : i32, i32
  }
  func.func @transform_4(%arg0: i32) -> (i32, i32) {
    %add3A = arith.constant 8 : i32
    %add3A_0 = arith.addi %arg0, %add3A : i32
    %c0_i32 = arith.constant 0 : i32
    %c0_i32_1 = arith.constant 0 : i32
    return %add3A_0, %c0_i32 : i32, i32
  }
  func.func @transform_5(%arg0: i32) -> (i32, i32) {
    %c0_i32 = arith.constant 0 : i32
    %c0_i32_0 = arith.constant 0 : i32
    return %arg0, %c0_i32 : i32, i32
  }
  func.func @transform_6(%arg0: i32) -> (i32, i32) {
    %c0_i32 = arith.constant 0 : i32
    %c0_i32_0 = arith.constant 0 : i32
    return %arg0, %c0_i32 : i32, i32
  }
  func.func @transform_7(%arg0: i32) -> (i32, i32) {
    %c0_i32 = arith.constant 0 : i32
    %c0_i32_0 = arith.constant 0 : i32
    %c0_i32_1 = arith.constant 0 : i32
    return %c0_i32, %c0_i32_0 : i32, i32
  }
  func.func @transform_8(%arg0: i32) -> (i32, i32) {
    %c0_i32 = arith.constant 0 : i32
    %c0_i32_0 = arith.constant 0 : i32
    %c0_i32_1 = arith.constant 0 : i32
    return %c0_i32, %c0_i32_0 : i32, i32
  }
  func.func @transform_9(%arg0: i32) -> (i32, i32) {
    %c0_i32 = arith.constant 0 : i32
    %c0_i32_0 = arith.constant 0 : i32
    %c0_i32_1 = arith.constant 0 : i32
    return %c0_i32, %c0_i32_0 : i32, i32
  }
  func.func @transform_10(%arg0: i32) -> (i32, i32) {
    %c0_i32 = arith.constant 0 : i32
    %c0_i32_0 = arith.constant 0 : i32
    %c0_i32_1 = arith.constant 0 : i32
    return %c0_i32, %c0_i32_0 : i32, i32
  }
  func.func @transform_11(%arg0: i32) -> (i32, i32) {
    %c0_i32 = arith.constant 0 : i32
    %c0_i32_0 = arith.constant 0 : i32
    return %arg0, %c0_i32 : i32, i32
  }
}

</mosaic_0001>

<sc_bundles>
// kernel: kernel.11.cloned.1.call-start
scs
__scs_entry_jumppad:
0x0: {  	(pc) =	sbr.rel $0x88, $3  }
0x1: {  	(tag) =	ssettag $0x0;
	lr =	simm.s32 $0x1  }
0x2: {  	[smem:$0x3F94] =	sst lr;
	_ =	strace $0xD0000000  }
0x3: {  	_ = 	snop  }
0x4: {  	_ = 	snop  }
0x5: {  	_ = 	snop  }
0x6: {  	_ = 	snop  }
0x7: {  	_ = 	snop  }
__scs_overlays_trampoline_lowered:
0x8: {  	[smem:$0x3FA3] =	sst s0  }
0x9: {  	[smem:$0x3FA4] =	sst s1  }
0xa: {  	[smem:$0x3FA5] =	sst s2  }
0xb: {  	[smem:$0x3FA6] =	sst s3  }
0xc: {  	[smem:$0x3FA7] =	sst s4  }
0xd: {  	[smem:$0x3FA8] =	sst s5  }
0xe: {  	[smem:$0x3FA9] =	sst s6  }
0xf: {  	[smem:$0x3FAA] =	sst s7  }
0x10: {  	[smem:$0x3FAB] =	sst s8  }
0x11: {  	[smem:$0x3FAC] =	sst s9;
	s0 =	simm.s32 @!p0 $0x0  }
0x12: {  	s1 =	sld [smem:$0x3F92];
	s0 =	simm.s32 @p0 $0x1  }
0x13: {  	[smem:$0x3FAD] =	sst s0;
	s0 =	simm.s32 @!p1 $0x0  }
0x14: {  	s2 =	sld [smem:$0x3F91];
	s0 =	simm.s32 @p1 $0x1  }
0x15: {  	[smem:$0x3FAE] =	sst s0;
	s0 =	simm.s32 @!p2 $0x0  }
0x16: {  	s3 =	sld [smem:$0x3FDB];
	s0 =	simm.s32 @p2 $0x1  }
0x17: {  	s4 =	simm.s32 $0x1BF5;
	[smem:$0x3FB0] =	sst s0  }
0x18: {  	s0 =	sld [smem:$0x3F93];
	_ =	swait.ge [sflag:s4], $0x0  }
0x19: {  	s7 =	sld [smem:$0x3F94]  }
0x1a: {  	s8 =	sadd.s32 $0xFFFFE003, lr  }
0x1b: {  	s9 =	sadd.s32 $0xFFFFFEF7, lr;
	s5 =	simm.s32 $0xFFFFFFFF;
	p2 =	slt.u32 s8, $0xFFFFF086  }
0x1c: {  	p1 =	slt.u32 s9, $0xF7A;
	s5 =	simm.s32 @!p2 $0x0  }
0x1d: {  	s5 =	simm.s32 @p1 $0x1;
	p0 =	seq.s32 s7, s2  }
0x1e: {  	s7 =	smul.u32 @!p0 $0xF7A, s2;
	p2 =	seq.s32 @!p0 s5, $0x0  }
0x1f: {  	s9 =	smul.u32 $0xF7A, s1;
	s8 =	simm.s32 @!p0 $0x1BF5;
	p2 =	por !p2, p0  }
0x20: {  	[sflag:s8] =	ssyncset.s32 @!p0 $0xFFFFF086;
	s6 =	sadd.s32 @!p0 s3, s7;
	s7 =	simm.s32 @!p0 $0x108  }
0x21: {  	s3 =	sadd.s32 s3, s9;
	s6 =	sadd.s32 @!p0 $0x88, s6;
	s7 =	simm.s32 @p2 $0x1082  }
0x22: {  	[simem:s7], [sflag:s8] =	dma.local @!p0 [hbm:s6], $0xF7A  }
0x23: {  	s9 =	sor.u32 $0xD0000000, s2;
	s6 =	simm.s32 $0x108;
	_ =	swait.ge @!p0 [sflag:s8], $0x0  }
0x24: {  	s3 =	sadd.s32 $0x88, s3;
	s6 =	simm.s32 @!p1 $0x1082;
	[sflag:s4] =	ssyncset.s32 $0xFFFFF086  }
0x25: {  	[simem:s6], [sflag:s4] =	dma.local [hbm:s3], $0xF7A  }
0x26: {  	[smem:$0x3F94] =	sst s1;
	(tag) =	ssettag s2;
	_ =	strace s9  }
0x27: {  	s1 =	sld [smem:$0x3FA4]  }
0x28: {  	s2 =	sld [smem:$0x3FA5]  }
0x29: {  	s4 =	sld [smem:$0x3FA7]  }
0x2a: {  	p0 =	seq.s32 s5, $0x0;
	s5 =	sld [smem:$0x3FA8]  }
0x2b: {  	s6 =	sld [smem:$0x3FA9]  }
0x2c: {  	s7 =	sld [smem:$0x3FAA]  }
0x2d: {  	s3 =	simm.s32 $0x108;
	s8 =	sld [smem:$0x3FAB]  }
0x2e: {  	s3 =	simm.s32 @!p0 $0x1082;
	s9 =	sld [smem:$0x3FAC]  }
0x2f: {  	lr =	sadd.s32 s0, s3;
	s0 =	sld [smem:$0x3FA3]  }
0x30: {  	s3 =	sld [smem:$0x3FA6]  }
0x31: {  	[smem:$0x3FAF] =	sst s10  }
0x32: {  	s10 =	sld [smem:$0x3FAD];
	_ =	sdelay $0x3  }
0x33: {  	p0 =	seq.s32 s10, $0x1;
	s10 =	sld [smem:$0x3FAF];
	_ =	sdelay $0x3  }
0x34: {  	[smem:$0x3FAF] =	sst s10  }
0x35: {  	s10 =	sld [smem:$0x3FAE];
	_ =	sdelay $0x3  }
0x36: {  	p1 =	seq.s32 s10, $0x1;
	s10 =	sld [smem:$0x3FAF];
	_ =	sdelay $0x3  }
0x37: {  	[smem:$0x3FAF] =	sst s10  }
0x38: {  	s10 =	sld [smem:$0x3FB0]  }
0x39: {  	_ = 	snop;
	(pc) =	sbr.ind lr, $3  }
0x3a: {  	_ = 	snop  }
0x3b: {  	_ = 	snop  }
0x3c: {  	p2 =	seq.s32 s10, $0x1;
	s10 =	sld [smem:$0x3FAF]  }
0x3d: {  	_ =	shalt  }
0x3e: {  	_ =	shalt  }
0x3f: {  	_ =	shalt  }
0x40: {  	_ =	shalt  }
0x41: {  	_ =	shalt  }
0x42: {  	_ =	shalt  }
0x43: {  	_ =	shalt  }
0x44: {  	_ =	shalt  }
0x45: {  	_ =	shalt  }
0x46: {  	_ =	shalt  }
0x47: {  	_ =	shalt  }
0x48: {  	_ =	shalt  }
0x49: {  	_ =	shalt  }
0x4a: {  	_ =	shalt  }
0x4b: {  	_ =	shalt  }
0x4c: {  	_ =	shalt  }
0x4d: {  	_ =	shalt  }
0x4e: {  	_ =	shalt  }
0x4f: {  	_ =	shalt  }
0x50: {  	_ =	shalt  }
0x51: {  	_ =	shalt  }
0x52: {  	_ =	shalt  }
0x53: {  	_ =	shalt  }
0x54: {  	_ =	shalt  }
0x55: {  	_ =	shalt  }
0x56: {  	_ =	shalt  }
0x57: {  	_ =	shalt  }
0x58: {  	_ =	shalt  }
0x59: {  	_ =	shalt  }
0x5a: {  	_ =	shalt  }
0x5b: {  	_ =	shalt  }
0x5c: {  	_ =	shalt  }
0x5d: {  	_ =	shalt  }
0x5e: {  	_ =	shalt  }
0x5f: {  	_ =	shalt  }
0x60: {  	_ =	shalt  }
0x61: {  	_ =	shalt  }
0x62: {  	_ =	shalt  }
0x63: {  	_ =	shalt  }
0x64: {  	_ =	shalt  }
0x65: {  	_ =	shalt  }
0x66: {  	_ =	shalt  }
0x67: {  	_ =	shalt  }
0x68: {  	_ =	shalt  }
0x69: {  	_ =	shalt  }
0x6a: {  	_ =	shalt  }
0x6b: {  	_ =	shalt  }
0x6c: {  	_ =	shalt  }
0x6d: {  	_ =	shalt  }
0x6e: {  	_ =	shalt  }
0x6f: {  	_ =	shalt  }
0x70: {  	_ =	shalt  }
0x71: {  	_ =	shalt  }
0x72: {  	_ =	shalt  }
0x73: {  	_ =	shalt  }
0x74: {  	_ =	shalt  }
0x75: {  	_ =	shalt  }
0x76: {  	_ =	shalt  }
0x77: {  	_ =	shalt  }
0x78: {  	_ =	shalt  }
0x79: {  	_ =	shalt  }
0x7a: {  	_ =	shalt  }
0x7b: {  	_ =	shalt  }
0x7c: {  	_ =	shalt  }
0x7d: {  	_ =	shalt  }
0x7e: {  	_ =	shalt  }
0x7f: {  	_ =	shalt  }
0x80: {  	_ =	shalt  }
0x81: {  	_ =	shalt  }
0x82: {  	_ =	shalt  }
0x83: {  	_ =	shalt  }
0x84: {  	_ =	shalt  }
0x85: {  	_ =	shalt  }
0x86: {  	_ =	shalt  }
0x87: {  	_ =	shalt  }
.Lfunc_end0:
.L_simem_size_0:
called_computation.1_lowered:
.L_overlay_start_0:
0x88: {  	s2 =	sld [smem:$0x3FD9]  }
0x89: {  	s3 =	sld [smem:$0x3FFE];
	_ =	sdelay $0x1  }
0x8a: {  	s1 =	srdreg.scid  }
0x8b: {  	s0 =	sand.u32 $0x1, s1  }
0x8c: {  	s16 =	sshll.u32 s0, $0xA;
	s2 =	sadd.s32 s3, s2  }
0x8d: {  	s2 =	sadd.s32 s2, s16  }
0x8e: {  	[smem:$0x3FBB] =	sst s2  }
0x8f: {  	_ = 	snop  }
0x90: {  	(tm) =	ssettm $0x1  }
0x91: {  	s17 =	sld [smem:$0x3FFB];
	_ =	sdelay $0x3  }
0x92: {  	_ =	strace s17  }
0x93: {  	s2 =	sld [smem:$0x3FFC];
	_ =	sdelay $0x3  }
0x94: {  	_ =	strace s2  }
0x95: {  	s2 =	sld [smem:$0x3FFD];
	_ =	sdelay $0x3  }
0x96: {  	_ =	strace s2  }
0x97: {  	_ =	strace $0x8FFFFFFF  }
0x98: {  	s18 =	sld [smem:$0x3FDB];
	_ =	sdelay $0x1  }
0x99: {  	s19 =	simm.s32 $_scs_section_size  }
0x9a: {  	s4 =	simm.s32 $_size__tile_overlayer_lowered;
	s5 =	simm.s32 $_tile_overlayer_lowered  }
0x9b: {  	s22 =	simm.s32 $0x1BFF;
	s21 =	sshll.u32 s5, $0x1;
	s2 =	sadd.s32 s19, s18  }
0x9c: {  	s6 =	simm.s32 $0x0;
	s20 =	sshll.u32 s4, $0x1;
	s4 =	sadd.s32 s21, s2  }
0x9d: {  	[timem:s6], [sflag:s22] =	dma.local [hbm:s4], s20  }
0x9e: {  	_ =	swait.ge [sflag:s22], s20  }
0x9f: {  	s3 =	ssub.s32 $0x0, s20;
	[sflag:s22] =	ssyncset.done $0x0  }
0xa0: {  	[sflag:s22] =	ssyncadd.s32 s3;
	_ =	sdelay $0x1  }
0xa1: {  	s23 =	simm.s32 $0x1B8B  }
0xa2: {  	_ =	swait.ge [sflag:s23], $0x1  }
0xa3: {  	[sflag:s23] =	ssyncset.done $0x0  }
0xa4: {  	s25 =	simm.s32 $0x1B8E;
	s24 =	sld [smem:$0x3FFE];
	[sflag:s23] =	ssyncadd.s32 $0xFFFFFFFF  }
0xa5: {  	s26 =	simm.s32 $execute0_lowered;
	[smem:$0x3FD2] =	sst s25  }
0xa6: {  	s4 =	sshll.u32 s26, $0x1;
	_ =	strace $0x80000049;
	[dreg:$0x1] =	wrdreg $0xFFFFFFFF  }
0xa7: {  	s28 =	simm.s32 $_size_execute0_lowered;
	s2 =	sadd.s32 s2, s4;
	[dreg:$0x0] =	wrdreg $0x0  }
0xa8: {  	s4 =	sshll.u32 s28, $0x1;
	[dreg:$0x2] =	wrdreg s2  }
0xa9: {  	[dreg:$0x3] =	wrdreg s4  }
0xaa: {  	[dreg:$0x4] =	wrdreg $0xC0  }
0xab: {  	_ =	task [dreg:s6], $0x5FFFF  }
0xac: {  	[dreg:$0x1] =	wrdreg $0xFFFFFFFF  }
0xad: {  	[dreg:$0x0] =	wrdreg $0x60  }
0xae: {  	[dreg:$0x2] =	wrdreg s24  }
0xaf: {  	[dreg:$0x3] =	wrdreg $0x9  }
0xb0: {  	_ =	task.clear_ibuf [dreg:s6], $0x4FFFF;
	_ =	strace $0x90000049  }
0xb1: {  	s29 =	simm.s32 $0x9;
	_ =	strace $0x8000004B  }
0xb2: {  	_ =	swait.ge [sflag:s29], $0x1  }
0xb3: {  	[sflag:s29] =	ssyncadd.s32 $0xFFFFFFFF  }
0xb4: {  	_ =	strace $0x9000004B  }
0xb5: {  	_ =	sfence  }
0xb6: {  	s30 =	sld [smem:$0x0];
	_ =	sdelay $0x2  }
0xb7: {  	s31 =	sshll.u32 s1, $0xD;
	s1 =	sshrl.u32 s1, $0x2  }
0xb8: {  	s3 =	sand.u32 $0x4000, s31;
	s1 =	sadd.s32 s1, s30  }
0xb9: {  	s0 =	sor.u32 s3, s0;
	s1 =	sshll.u32 s1, $0x11  }
0xba: {  	s0 =	sor.u32 s1, s0  }
0xbb: {  	s0 =	sadd.s32 $0x8F2B, s0  }
0xbc: {  	[sflag:s0] =	ssyncadd.remote.s32 $0x1  }
0xbd: {  	_ =	sfence.sel $0xFFFF  }
0xbe: {  	[dreg:$0x0] =	wrdreg $0xFFFFFFFF;
	(pc) =	sbr.abs _section_cstart, $3  }
0xbf: {  	[dreg:$0x1] =	wrdreg $0xFFFFFFFF  }
0xc0: {  	_ =	task.clear_ibuf [dreg:s6], $0x2FFFF;
	_ =	strace $0x9FFFFFFF  }
0xc1: {  	(tm) =	ssettm $0x7FFFFFFF  }
tec
execute0_lowered:
.L_overlay_start_1:
0x0: {  	(tag) =	ssettag $0x1  }
0x1: {  	s1 =	srdreg.scid;
	s0 =	stileid.u32  }
0x2: {  	s4 =	rddreg [dreg:$0x0];
	s19 =	simm.s32 $0x880;
	s20 =	simm.s32 $0x1080  }
0x3: {  	s21 =	simm.s32 $0x1880;
	s22 =	simm.s32 $0x2080;
	s23 =	simm.s32 $0x2880  }
0x4: {  	s24 =	simm.s32 $0x3080;
	s25 =	simm.s32 $0x3880;
	s26 =	simm.s32 $0x4080  }
0x5: {  	s7 =	simm.s32 $0x80;
	s9 =	simm.s32 $0x5080;
	s10 =	simm.s32 $0x5880  }
0x6: {  	s11 =	simm.s32 $0x6080;
	s12 =	simm.s32 $0x6880;
	s1 =	sand.u32 $0x1, s1  }
0x7: {  	s13 =	simm.s32 $0x7080;
	s2 =	sshll.u32 s0, $0x8;
	s3 =	sshll.u32 s1, $0x7  }
0x8: {  	s14 =	simm.s32 $0x7880;
	s3 =	sor.u32 s3, s2;
	s2 =	simm.s32 $0x0  }
0x9: {  	s15 =	simm.s32 $0x8080;
	s16 =	simm.s32 $0x8880;
	[smem:$0x7FF] =	sst s2  }
0xa: {  	s17 =	simm.s32 $0x9080;
	_ =	strace $0x8000004A;
	[dreg:$0x4] =	wrdreg s19  }
0xb: {  	s18 =	simm.s32 $0x9880;
	s28 =	simm.s32 $0xE080;
	[dreg:$0x5] =	wrdreg s20  }
0xc: {  	s29 =	simm.s32 $0xE880;
	s30 =	simm.s32 $0xF080;
	[dreg:$0x6] =	wrdreg s21  }
0xd: {  	s31 =	simm.s32 $0xF880;
	s1 =	ssub.s32 $0x2, s1;
	[dreg:$0x7] =	wrdreg s22  }
0xe: {  	s6 =	sshrl.u32 s1, $0x1;
	s5 =	sshrl.u32 s3, $0x3;
	[dreg:$0x8] =	wrdreg s23  }
0xf: {  	s3 =	sshll.u32 s3, $0x6;
	s1 =	ssub.s32 s1, s6;
	[dreg:$0x9] =	wrdreg s24  }
0x10: {  	s6 =	simm.s32 $0x2;
	s5 =	sadd.s32 s5, s4;
	[dreg:$0xa] =	wrdreg s25  }
0x11: {  	s3 =	sadd.s32 s3, s4;
	[dreg:$0xb] =	wrdreg s26;
	s19 =	simm.s32 $0xA080  }
0x12: {  	s20 =	simm.s32 $0xA880;
	s21 =	simm.s32 $0xB080;
	s22 =	simm.s32 $0xB880  }
0x13: {  	s23 =	simm.s32 $0xC080;
	s24 =	simm.s32 $0xC880;
	s5 =	sadd.s32 $0x63200, s5  }
0x14: {  	v2 =	vlaneseq.u32;
	s25 =	simm.s32 $0xD080;
	s3 =	sadd.s32 $0x63400, s3;
	[dreg:$0x2] =	wrdreg s5  }
0x15: {  	vm0 =	vmmov $0xffff;
	v1 =	vshrl.u32 v2, $0x3;
	s26 =	simm.s32 $0xD880;
	[dreg:$0x3] =	wrdreg s3;
	s3 =	sadd.s32 $0x2C00, s4  }
0x16: {  	v0 =	vand.u32 $0x7, v2;
	v2 =	vor.u32 $0x8, v2;
	v1 =	vmul.u32 $0x8, v1;
	s4 =	sadd.s32 $0x2D00, s4;
	s5 =	smax.u32 s1, $0x1;
	s1 =	simm.s32 $0x1  }
.LBB2_1:
0x17: {  	s0 =	rddreg [dreg:$0x2]  }
0x18: {  	[tilespmem:s2], [sflag:$0x2] =	stream.linear.gather [hbm4b:s0+s2], $0x80, $0x38;
	[tilespmem:$0x10080] =	vst v63  }
0x19: {  	_ =	swait.ge [sflag:s6], $0x80  }
0x1a: {  	[sflag:s6] =	ssyncset.done $0x0  }
0x1b: {  	[sflag:s6] =	ssyncadd.s32 $0xFFFFFF80  }
0x1c: {  	v3 =	vld [tilespmem:$0x0];
	_ =	sdelay $0x4  }
0x1d: {  	v4 =	vshll.u32 v3, $0x2  }
0x1e: {  	v3 =	vand.u32 $0x7, v3;
	v4 =	vand.u32 $0xFFFFFFE0, v4  }
0x1f: {  	v3 =	vor.u32 v3, v4  }
0x20: {  	v4 =	vperm.xlane v3, v0;
	_ =	sdelay $0x1  }
0x21: {  	v4 =	vadd.s32 v1, v4;
	_ =	sdelay $0x1  }
0x22: {  	v3 =	vperm.xlane v3, v2;
	_ =	sdelay $0x1  }
0x23: {  	v3 =	vadd.s32 v1, v3  }
0x24: {  	[tilespmem:s7], [sflag:$0x1] =	stream.indirect_vreg.gather [hbm4b:s3+s2], $0x80, v4, vm0, $0xb8;
	[tilespmem:$0x10080] =	vst v63  }
0x25: {  	s0 =	rddreg [dreg:$0x4]  }
0x26: {  	[tilespmem:s0], [sflag:$0x1] =	stream.indirect_vreg.gather [hbm4b:s4+s2], $0x80, v4, vm0, $0xb8;
	[tilespmem:$0x10080] =	vst v63  }
0x27: {  	s8 =	rddreg [dreg:$0x5]  }
0x28: {  	[tilespmem:s8], [sflag:$0x1] =	stream.indirect_vreg.gather [hbm4b:s3+s2], $0x80, v3, vm0, $0xb8;
	[tilespmem:$0x10080] =	vst v63  }
0x29: {  	s0 =	rddreg [dreg:$0x6]  }
0x2a: {  	[tilespmem:s0], [sflag:$0x1] =	stream.indirect_vreg.gather [hbm4b:s4+s2], $0x80, v3, vm0, $0xb8;
	[tilespmem:$0x10080] =	vst v63  }
0x2b: {  	v3 =	vld [tilespmem:$0x10];
	_ =	sdelay $0x4  }
0x2c: {  	v57 =	vshll.u32 v3, $0x2  }
0x2d: {  	v3 =	vand.u32 $0x7, v3;
	v4 =	vand.u32 $0xFFFFFFE0, v57  }
0x2e: {  	v3 =	vor.u32 v3, v4  }
0x2f: {  	v4 =	vperm.xlane v3, v0;
	_ =	sdelay $0x1  }
0x30: {  	v4 =	vadd.s32 v1, v4;
	_ =	sdelay $0x1  }
0x31: {  	v3 =	vperm.xlane v3, v2;
	_ =	sdelay $0x1  }
0x32: {  	s0 =	rddreg [dreg:$0x7];
	v3 =	vadd.s32 v1, v3  }
0x33: {  	[tilespmem:s0], [sflag:$0x1] =	stream.indirect_vreg.gather [hbm4b:s3+s2], $0x80, v4, vm0, $0xb8;
	[tilespmem:$0x10080] =	vst v63  }
0x34: {  	s8 =	rddreg [dreg:$0x8]  }
0x35: {  	[tilespmem:s8], [sflag:$0x1] =	stream.indirect_vreg.gather [hbm4b:s4+s2], $0x80, v4, vm0, $0xb8;
	[tilespmem:$0x10080] =	vst v63  }
0x36: {  	s0 =	rddreg [dreg:$0x9]  }
0x37: {  	[tilespmem:s0], [sflag:$0x1] =	stream.indirect_vreg.gather [hbm4b:s3+s2], $0x80, v3, vm0, $0xb8;
	[tilespmem:$0x10080] =	vst v63  }
0x38: {  	s8 =	rddreg [dreg:$0xa]  }
0x39: {  	[tilespmem:s8], [sflag:$0x1] =	stream.indirect_vreg.gather [hbm4b:s4+s2], $0x80, v3, vm0, $0xb8;
	[tilespmem:$0x10080] =	vst v63  }
0x3a: {  	v3 =	vld [tilespmem:$0x20];
	_ =	sdelay $0x4  }
0x3b: {  	v58 =	vshll.u32 v3, $0x2  }
0x3c: {  	v3 =	vand.u32 $0x7, v3;
	v4 =	vand.u32 $0xFFFFFFE0, v58  }
0x3d: {  	v3 =	vor.u32 v3, v4  }
0x3e: {  	v4 =	vperm.xlane v3, v0;
	_ =	sdelay $0x1  }
0x3f: {  	v4 =	vadd.s32 v1, v4;
	_ =	sdelay $0x1  }
0x40: {  	v3 =	vperm.xlane v3, v2;
	_ =	sdelay $0x1  }
0x41: {  	s8 =	rddreg [dreg:$0xb];
	v3 =	vadd.s32 v1, v3  }
0x42: {  	[tilespmem:s8], [sflag:$0x1] =	stream.indirect_vreg.gather [hbm4b:s3+s2], $0x80, v4, vm0, $0xb8;
	[tilespmem:$0x10080] =	vst v63  }
0x43: {  	s8 =	simm.s32 $0x4880  }
0x44: {  	[tilespmem:s8], [sflag:$0x1] =	stream.indirect_vreg.gather [hbm4b:s4+s2], $0x80, v4, vm0, $0xb8;
	[tilespmem:$0x10080] =	vst v63  }
0x45: {  	_ = 	snop  }
0x46: {  	[tilespmem:s9], [sflag:$0x1] =	stream.indirect_vreg.gather [hbm4b:s3+s2], $0x80, v3, vm0, $0xb8;
	[tilespmem:$0x10080] =	vst v63  }
0x47: {  	_ = 	snop  }
0x48: {  	[tilespmem:s10], [sflag:$0x1] =	stream.indirect_vreg.gather [hbm4b:s4+s2], $0x80, v3, vm0, $0xb8;
	[tilespmem:$0x10080] =	vst v63  }
0x49: {  	v3 =	vld [tilespmem:$0x30];
	_ =	sdelay $0x4  }
0x4a: {  	v59 =	vshll.u32 v3, $0x2  }
0x4b: {  	v3 =	vand.u32 $0x7, v3;
	v4 =	vand.u32 $0xFFFFFFE0, v59  }
0x4c: {  	v3 =	vor.u32 v3, v4  }
0x4d: {  	v4 =	vperm.xlane v3, v0;
	_ =	sdelay $0x1  }
0x4e: {  	v4 =	vadd.s32 v1, v4;
	_ =	sdelay $0x1  }
0x4f: {  	v3 =	vperm.xlane v3, v2;
	_ =	sdelay $0x1  }
0x50: {  	v3 =	vadd.s32 v1, v3  }
0x51: {  	[tilespmem:s11], [sflag:$0x1] =	stream.indirect_vreg.gather [hbm4b:s3+s2], $0x80, v4, vm0, $0xb8;
	[tilespmem:$0x10080] =	vst v63  }
0x52: {  	_ = 	snop  }
0x53: {  	[tilespmem:s12], [sflag:$0x1] =	stream.indirect_vreg.gather [hbm4b:s4+s2], $0x80, v4, vm0, $0xb8;
	[tilespmem:$0x10080] =	vst v63  }
0x54: {  	_ = 	snop  }
0x55: {  	[tilespmem:s13], [sflag:$0x1] =	stream.indirect_vreg.gather [hbm4b:s3+s2], $0x80, v3, vm0, $0xb8;
	[tilespmem:$0x10080] =	vst v63  }
0x56: {  	_ = 	snop  }
0x57: {  	[tilespmem:s14], [sflag:$0x1] =	stream.indirect_vreg.gather [hbm4b:s4+s2], $0x80, v3, vm0, $0xb8;
	[tilespmem:$0x10080] =	vst v63  }
0x58: {  	v3 =	vld [tilespmem:$0x40];
	_ =	sdelay $0x4  }
0x59: {  	v60 =	vshll.u32 v3, $0x2  }
0x5a: {  	v3 =	vand.u32 $0x7, v3;
	v4 =	vand.u32 $0xFFFFFFE0, v60  }
0x5b: {  	v3 =	vor.u32 v3, v4  }
0x5c: {  	v4 =	vperm.xlane v3, v0;
	_ =	sdelay $0x1  }
0x5d: {  	v4 =	vadd.s32 v1, v4;
	_ =	sdelay $0x1  }
0x5e: {  	v3 =	vperm.xlane v3, v2;
	_ =	sdelay $0x1  }
0x5f: {  	v3 =	vadd.s32 v1, v3  }
0x60: {  	[tilespmem:s15], [sflag:$0x1] =	stream.indirect_vreg.gather [hbm4b:s3+s2], $0x80, v4, vm0, $0xb8;
	[tilespmem:$0x10080] =	vst v63  }
0x61: {  	_ = 	snop  }
0x62: {  	[tilespmem:s16], [sflag:$0x1] =	stream.indirect_vreg.gather [hbm4b:s4+s2], $0x80, v4, vm0, $0xb8;
	[tilespmem:$0x10080] =	vst v63  }
0x63: {  	_ = 	snop  }
0x64: {  	[tilespmem:s17], [sflag:$0x1] =	stream.indirect_vreg.gather [hbm4b:s3+s2], $0x80, v3, vm0, $0xb8;
	[tilespmem:$0x10080] =	vst v63  }
0x65: {  	_ = 	snop  }
0x66: {  	[tilespmem:s18], [sflag:$0x1] =	stream.indirect_vreg.gather [hbm4b:s4+s2], $0x80, v3, vm0, $0xb8;
	[tilespmem:$0x10080] =	vst v63  }
0x67: {  	v3 =	vld [tilespmem:$0x50];
	_ =	sdelay $0x4  }
0x68: {  	v61 =	vshll.u32 v3, $0x2  }
0x69: {  	v3 =	vand.u32 $0x7, v3;
	v4 =	vand.u32 $0xFFFFFFE0, v61  }
0x6a: {  	v3 =	vor.u32 v3, v4  }
0x6b: {  	v4 =	vperm.xlane v3, v0;
	_ =	sdelay $0x1  }
0x6c: {  	v4 =	vadd.s32 v1, v4;
	_ =	sdelay $0x1  }
0x6d: {  	v3 =	vperm.xlane v3, v2;
	_ =	sdelay $0x1  }
0x6e: {  	v3 =	vadd.s32 v1, v3  }
0x6f: {  	[tilespmem:s19], [sflag:$0x1] =	stream.indirect_vreg.gather [hbm4b:s3+s2], $0x80, v4, vm0, $0xb8;
	[tilespmem:$0x10080] =	vst v63  }
0x70: {  	_ = 	snop  }
0x71: {  	[tilespmem:s20], [sflag:$0x1] =	stream.indirect_vreg.gather [hbm4b:s4+s2], $0x80, v4, vm0, $0xb8;
	[tilespmem:$0x10080] =	vst v63  }
0x72: {  	_ = 	snop  }
0x73: {  	[tilespmem:s21], [sflag:$0x1] =	stream.indirect_vreg.gather [hbm4b:s3+s2], $0x80, v3, vm0, $0xb8;
	[tilespmem:$0x10080] =	vst v63  }
0x74: {  	_ = 	snop  }
0x75: {  	[tilespmem:s22], [sflag:$0x1] =	stream.indirect_vreg.gather [hbm4b:s4+s2], $0x80, v3, vm0, $0xb8;
	[tilespmem:$0x10080] =	vst v63  }
0x76: {  	v3 =	vld [tilespmem:$0x60];
	_ =	sdelay $0x4  }
0x77: {  	v62 =	vshll.u32 v3, $0x2  }
0x78: {  	v3 =	vand.u32 $0x7, v3;
	v4 =	vand.u32 $0xFFFFFFE0, v62  }
0x79: {  	v3 =	vor.u32 v3, v4  }
0x7a: {  	v4 =	vperm.xlane v3, v0;
	_ =	sdelay $0x1  }
0x7b: {  	v4 =	vadd.s32 v1, v4;
	_ =	sdelay $0x1  }
0x7c: {  	v3 =	vperm.xlane v3, v2;
	_ =	sdelay $0x1  }
0x7d: {  	v3 =	vadd.s32 v1, v3  }
0x7e: {  	[tilespmem:s23], [sflag:$0x1] =	stream.indirect_vreg.gather [hbm4b:s3+s2], $0x80, v4, vm0, $0xb8;
	[tilespmem:$0x10080] =	vst v63  }
0x7f: {  	_ = 	snop  }
0x80: {  	[tilespmem:s24], [sflag:$0x1] =	stream.indirect_vreg.gather [hbm4b:s4+s2], $0x80, v4, vm0, $0xb8;
	[tilespmem:$0x10080] =	vst v63  }
0x81: {  	_ = 	snop  }
0x82: {  	[tilespmem:s25], [sflag:$0x1] =	stream.indirect_vreg.gather [hbm4b:s3+s2], $0x80, v3, vm0, $0xb8;
	[tilespmem:$0x10080] =	vst v63  }
0x83: {  	_ = 	snop  }
0x84: {  	[tilespmem:s26], [sflag:$0x1] =	stream.indirect_vreg.gather [hbm4b:s4+s2], $0x80, v3, vm0, $0xb8;
	[tilespmem:$0x10080] =	vst v63  }
0x85: {  	v3 =	vld [tilespmem:$0x70];
	_ =	sdelay $0x4  }
0x86: {  	v63 =	vshll.u32 v3, $0x2  }
0x87: {  	v3 =	vand.u32 $0x7, v3;
	v4 =	vand.u32 $0xFFFFFFE0, v63  }
0x88: {  	v3 =	vor.u32 v3, v4  }
0x89: {  	v4 =	vperm.xlane v3, v0;
	_ =	sdelay $0x1  }
0x8a: {  	v4 =	vadd.s32 v1, v4;
	_ =	sdelay $0x1  }
0x8b: {  	v3 =	vperm.xlane v3, v2;
	_ =	sdelay $0x1  }
0x8c: {  	v3 =	vadd.s32 v1, v3  }
0x8d: {  	[tilespmem:s28], [sflag:$0x1] =	stream.indirect_vreg.gather [hbm4b:s3+s2], $0x80, v4, vm0, $0xb8;
	[tilespmem:$0x10080] =	vst v63  }
0x8e: {  	_ = 	snop  }
0x8f: {  	[tilespmem:s29], [sflag:$0x1] =	stream.indirect_vreg.gather [hbm4b:s4+s2], $0x80, v4, vm0, $0xb8;
	[tilespmem:$0x10080] =	vst v63  }
0x90: {  	_ = 	snop  }
0x91: {  	[tilespmem:s30], [sflag:$0x1] =	stream.indirect_vreg.gather [hbm4b:s3+s2], $0x80, v3, vm0, $0xb8;
	[tilespmem:$0x10080] =	vst v63  }
0x92: {  	_ = 	snop  }
0x93: {  	[tilespmem:s31], [sflag:$0x1] =	stream.indirect_vreg.gather [hbm4b:s4+s2], $0x80, v3, vm0, $0xb8;
	[tilespmem:$0x10080] =	vst v63  }
0x94: {  	_ =	swait.ge [sflag:s1], $0x10000  }
0x95: {  	p0 =	sne.s32 s5, $0x1;
	[sflag:s1] =	ssyncset.done $0x0  }
.Ltmp0:
0x96: {  	s8 =	rddreg [dreg:$0x3];
	[sflag:s1] =	ssyncadd.s32 $0xFFFF0000;
	(pc) =	sbr.rel @p0 .LBB2_1-.Ltmp0, $4  }
0x97: {  	[hbm4b:s8+s2] =	stream.linear.scatter [tilespmem:s7], [sflag:$0x2], $0x10000, $0x38;
	[tilespmem:$0x10080] =	vst v63  }
0x98: {  	_ =	swait.ge [sflag:s6], $0x10000  }
0x99: {  	[sflag:s6] =	ssyncset.done $0x0  }
0x9a: {  	s5 =	sadd.s32 $0xFFFFFFFF, s5;
	[sflag:s6] =	ssyncadd.s32 $0xFFFF0000  }
0x9b: {  	_ =	sfence.sel $0x180000  }
0x9c: {  	[bflag:$0x0] =	sbarrier.arrive $0xFFFF  }
0x9d: {  	_ =	strace $0x9000004A  }
0x9e: {  	s0 =	stileid.u32;
	[bflag:$0x2] =	sbarrier.arrive $0xFFFF  }
0x9f: {  	p0 =	sne.s32 s0, $0x0;
	s0 =	rddreg [dreg:$0x1]  }
0xa0: {  	s0 =	sadd.s32 @!p0 $0x100000, s0  }
0xa1: {  	[sflag:s0] =	ssyncadd.tile.s32 @!p0 $0x1;
	_ =	shalt  }
.Lfunc_end2:
_tile_overlayer_lowered:
.L_overlay_start_2:
0xa2: {  	(tag) =	ssettag $0x2  }
0xa3: {  	s0 =	rddreg [dreg:$0x0];
	s2 =	stileid.u32  }
0xa4: {  	s1 =	rddreg [dreg:$0x1];
	p0 =	sne.s32 s2, $0x0  }
0xa5: {  	s3 =	rddreg [dreg:$0x2];
	[bflag:$0x3] =	sbarrier.arrive $0xFFFF;
	s2 =	simm.s32 @!p0 $0x1C02  }
0xa6: {  	[timem:s3], [sflag:s2] =	dma.local @!p0 [hbm:s0], s1  }
0xa7: {  	s0 =	simm.s32 @!p0 $0x2  }
0xa8: {  	_ =	swait.ge @!p0 [sflag:s0], s1  }
0xa9: {  	s1 =	ssub.s32 @!p0 $0x0, s1;
	[sflag:s0] =	ssyncset.done @!p0 $0x0  }
0xaa: {  	[sflag:s0] =	ssyncadd.s32 @!p0 s1  }
0xab: {  	[bflag:$0x3] =	sbarrier.arrive $0xFFFF  }
0xac: {  	_ =	shalt  }

// kernel: kernel.8.cloned.1.call-start
scs
__scs_entry_jumppad:
0x0: {  	(pc) =	sbr.rel $0x88, $3  }
0x1: {  	(tag) =	ssettag $0x0;
	lr =	simm.s32 $0x1  }
0x2: {  	[smem:$0x3F94] =	sst lr;
	_ =	strace $0xD0000000  }
0x3: {  	_ = 	snop  }
0x4: {  	_ = 	snop  }
0x5: {  	_ = 	snop  }
0x6: {  	_ = 	snop  }
0x7: {  	_ = 	snop  }
__scs_overlays_trampoline_lowered:
0x8: {  	[smem:$0x3FA3] =	sst s0  }
0x9: {  	[smem:$0x3FA4] =	sst s1  }
0xa: {  	[smem:$0x3FA5] =	sst s2  }
0xb: {  	[smem:$0x3FA6] =	sst s3  }
0xc: {  	[smem:$0x3FA7] =	sst s4  }
0xd: {  	[smem:$0x3FA8] =	sst s5  }
0xe: {  	[smem:$0x3FA9] =	sst s6  }
0xf: {  	[smem:$0x3FAA] =	sst s7  }
0x10: {  	[smem:$0x3FAB] =	sst s8  }
0x11: {  	[smem:$0x3FAC] =	sst s9;
	s0 =	simm.s32 @!p0 $0x0  }
0x12: {  	s1 =	sld [smem:$0x3F92];
	s0 =	simm.s32 @p0 $0x1  }
0x13: {  	[smem:$0x3FAD] =	sst s0;
	s0 =	simm.s32 @!p1 $0x0  }
0x14: {  	s2 =	sld [smem:$0x3F91];
	s0 =	simm.s32 @p1 $0x1  }
0x15: {  	[smem:$0x3FAE] =	sst s0;
	s0 =	simm.s32 @!p2 $0x0  }
0x16: {  	s3 =	sld [smem:$0x3FDB];
	s0 =	simm.s32 @p2 $0x1  }
0x17: {  	s4 =	simm.s32 $0x1BF5;
	[smem:$0x3FB0] =	sst s0  }
0x18: {  	s0 =	sld [smem:$0x3F93];
	_ =	swait.ge [sflag:s4], $0x0  }
0x19: {  	s7 =	sld [smem:$0x3F94]  }
0x1a: {  	s8 =	sadd.s32 $0xFFFFE003, lr  }
0x1b: {  	s9 =	sadd.s32 $0xFFFFFEF7, lr;
	s5 =	simm.s32 $0xFFFFFFFF;
	p2 =	slt.u32 s8, $0xFFFFF086  }
0x1c: {  	p1 =	slt.u32 s9, $0xF7A;
	s5 =	simm.s32 @!p2 $0x0  }
0x1d: {  	s5 =	simm.s32 @p1 $0x1;
	p0 =	seq.s32 s7, s2  }
0x1e: {  	s7 =	smul.u32 @!p0 $0xF7A, s2;
	p2 =	seq.s32 @!p0 s5, $0x0  }
0x1f: {  	s9 =	smul.u32 $0xF7A, s1;
	s8 =	simm.s32 @!p0 $0x1BF5;
	p2 =	por !p2, p0  }
0x20: {  	[sflag:s8] =	ssyncset.s32 @!p0 $0xFFFFF086;
	s6 =	sadd.s32 @!p0 s3, s7;
	s7 =	simm.s32 @!p0 $0x108  }
0x21: {  	s3 =	sadd.s32 s3, s9;
	s6 =	sadd.s32 @!p0 $0x88, s6;
	s7 =	simm.s32 @p2 $0x1082  }
0x22: {  	[simem:s7], [sflag:s8] =	dma.local @!p0 [hbm:s6], $0xF7A  }
0x23: {  	s9 =	sor.u32 $0xD0000000, s2;
	s6 =	simm.s32 $0x108;
	_ =	swait.ge @!p0 [sflag:s8], $0x0  }
0x24: {  	s3 =	sadd.s32 $0x88, s3;
	s6 =	simm.s32 @!p1 $0x1082;
	[sflag:s4] =	ssyncset.s32 $0xFFFFF086  }
0x25: {  	[simem:s6], [sflag:s4] =	dma.local [hbm:s3], $0xF7A  }
0x26: {  	[smem:$0x3F94] =	sst s1;
	(tag) =	ssettag s2;
	_ =	strace s9  }
0x27: {  	s1 =	sld [smem:$0x3FA4]  }
0x28: {  	s2 =	sld [smem:$0x3FA5]  }
0x29: {  	s4 =	sld [smem:$0x3FA7]  }
0x2a: {  	p0 =	seq.s32 s5, $0x0;
	s5 =	sld [smem:$0x3FA8]  }
0x2b: {  	s6 =	sld [smem:$0x3FA9]  }
0x2c: {  	s7 =	sld [smem:$0x3FAA]  }
0x2d: {  	s3 =	simm.s32 $0x108;
	s8 =	sld [smem:$0x3FAB]  }
0x2e: {  	s3 =	simm.s32 @!p0 $0x1082;
	s9 =	sld [smem:$0x3FAC]  }
0x2f: {  	lr =	sadd.s32 s0, s3;
	s0 =	sld [smem:$0x3FA3]  }
0x30: {  	s3 =	sld [smem:$0x3FA6]  }
0x31: {  	[smem:$0x3FAF] =	sst s10  }
0x32: {  	s10 =	sld [smem:$0x3FAD];
	_ =	sdelay $0x3  }
0x33: {  	p0 =	seq.s32 s10, $0x1;
	s10 =	sld [smem:$0x3FAF];
	_ =	sdelay $0x3  }
0x34: {  	[smem:$0x3FAF] =	sst s10  }
0x35: {  	s10 =	sld [smem:$0x3FAE];
	_ =	sdelay $0x3  }
0x36: {  	p1 =	seq.s32 s10, $0x1;
	s10 =	sld [smem:$0x3FAF];
	_ =	sdelay $0x3  }
0x37: {  	[smem:$0x3FAF] =	sst s10  }
0x38: {  	s10 =	sld [smem:$0x3FB0]  }
0x39: {  	_ = 	snop;
	(pc) =	sbr.ind lr, $3  }
0x3a: {  	_ = 	snop  }
0x3b: {  	_ = 	snop  }
0x3c: {  	p2 =	seq.s32 s10, $0x1;
	s10 =	sld [smem:$0x3FAF]  }
0x3d: {  	_ =	shalt  }
0x3e: {  	_ =	shalt  }
0x3f: {  	_ =	shalt  }
0x40: {  	_ =	shalt  }
0x41: {  	_ =	shalt  }
0x42: {  	_ =	shalt  }
0x43: {  	_ =	shalt  }
0x44: {  	_ =	shalt  }
0x45: {  	_ =	shalt  }
0x46: {  	_ =	shalt  }
0x47: {  	_ =	shalt  }
0x48: {  	_ =	shalt  }
0x49: {  	_ =	shalt  }
0x4a: {  	_ =	shalt  }
0x4b: {  	_ =	shalt  }
0x4c: {  	_ =	shalt  }
0x4d: {  	_ =	shalt  }
0x4e: {  	_ =	shalt  }
0x4f: {  	_ =	shalt  }
0x50: {  	_ =	shalt  }
0x51: {  	_ =	shalt  }
0x52: {  	_ =	shalt  }
0x53: {  	_ =	shalt  }
0x54: {  	_ =	shalt  }
0x55: {  	_ =	shalt  }
0x56: {  	_ =	shalt  }
0x57: {  	_ =	shalt  }
0x58: {  	_ =	shalt  }
0x59: {  	_ =	shalt  }
0x5a: {  	_ =	shalt  }
0x5b: {  	_ =	shalt  }
0x5c: {  	_ =	shalt  }
0x5d: {  	_ =	shalt  }
0x5e: {  	_ =	shalt  }
0x5f: {  	_ =	shalt  }
0x60: {  	_ =	shalt  }
0x61: {  	_ =	shalt  }
0x62: {  	_ =	shalt  }
0x63: {  	_ =	shalt  }
0x64: {  	_ =	shalt  }
0x65: {  	_ =	shalt  }
0x66: {  	_ =	shalt  }
0x67: {  	_ =	shalt  }
0x68: {  	_ =	shalt  }
0x69: {  	_ =	shalt  }
0x6a: {  	_ =	shalt  }
0x6b: {  	_ =	shalt  }
0x6c: {  	_ =	shalt  }
0x6d: {  	_ =	shalt  }
0x6e: {  	_ =	shalt  }
0x6f: {  	_ =	shalt  }
0x70: {  	_ =	shalt  }
0x71: {  	_ =	shalt  }
0x72: {  	_ =	shalt  }
0x73: {  	_ =	shalt  }
0x74: {  	_ =	shalt  }
0x75: {  	_ =	shalt  }
0x76: {  	_ =	shalt  }
0x77: {  	_ =	shalt  }
0x78: {  	_ =	shalt  }
0x79: {  	_ =	shalt  }
0x7a: {  	_ =	shalt  }
0x7b: {  	_ =	shalt  }
0x7c: {  	_ =	shalt  }
0x7d: {  	_ =	shalt  }
0x7e: {  	_ =	shalt  }
0x7f: {  	_ =	shalt  }
0x80: {  	_ =	shalt  }
0x81: {  	_ =	shalt  }
0x82: {  	_ =	shalt  }
0x83: {  	_ =	shalt  }
0x84: {  	_ =	shalt  }
0x85: {  	_ =	shalt  }
0x86: {  	_ =	shalt  }
0x87: {  	_ =	shalt  }
.Lfunc_end0:
.L_simem_size_0:
called_computation_lowered:
.L_overlay_start_0:
0x88: {  	s2 =	sld [smem:$0x3FD9]  }
0x89: {  	s3 =	sld [smem:$0x3FFE];
	_ =	sdelay $0x1  }
0x8a: {  	s1 =	srdreg.scid  }
0x8b: {  	s0 =	sand.u32 $0x1, s1  }
0x8c: {  	s17 =	sshll.u32 s0, $0xA;
	s2 =	sadd.s32 s3, s2  }
0x8d: {  	s2 =	sadd.s32 s2, s17  }
0x8e: {  	[smem:$0x3FBB] =	sst s2  }
0x8f: {  	_ = 	snop  }
0x90: {  	s2 =	sld [smem:$0x3FD0];
	(tm) =	ssettm $0x1  }
0x91: {  	s18 =	sld [smem:$0x3FFB];
	_ =	sdelay $0x3  }
0x92: {  	_ =	strace s18  }
0x93: {  	s3 =	sld [smem:$0x3FFC];
	_ =	sdelay $0x3  }
0x94: {  	_ =	strace s3  }
0x95: {  	s3 =	sld [smem:$0x3FFD];
	_ =	sdelay $0x3  }
0x96: {  	_ =	strace s3  }
0x97: {  	_ =	strace $0x8FFFFFFF  }
0x98: {  	s19 =	sld [smem:$0x3FDB];
	_ =	sdelay $0x1  }
0x99: {  	s4 =	simm.s32 $_scs_section_size  }
0x9a: {  	s5 =	simm.s32 $_size__tile_overlayer_lowered;
	s6 =	simm.s32 $_tile_overlayer_lowered  }
0x9b: {  	s22 =	simm.s32 $0x1BFF;
	s21 =	sshll.u32 s6, $0x1;
	s3 =	sadd.s32 s4, s19  }
0x9c: {  	s7 =	simm.s32 $0x0;
	s20 =	sshll.u32 s5, $0x1;
	s5 =	sadd.s32 s21, s3  }
0x9d: {  	[timem:s7], [sflag:s22] =	dma.local [hbm:s5], s20  }
0x9e: {  	_ =	swait.ge [sflag:s22], s20  }
0x9f: {  	s4 =	ssub.s32 $0x0, s20;
	[sflag:s22] =	ssyncset.done $0x0  }
0xa0: {  	[sflag:s22] =	ssyncadd.s32 s4;
	_ =	sdelay $0x1  }
0xa1: {  	s23 =	simm.s32 $0x1B8B  }
0xa2: {  	_ =	swait.ge [sflag:s23], $0x1  }
0xa3: {  	[sflag:s23] =	ssyncset.done $0x0  }
0xa4: {  	s25 =	simm.s32 $0x1B8E;
	s24 =	sld [smem:$0x3FFE];
	[sflag:s23] =	ssyncadd.s32 $0xFFFFFFFF  }
0xa5: {  	s26 =	simm.s32 $execute0_lowered;
	[smem:$0x3FD2] =	sst s25  }
0xa6: {  	s5 =	sshll.u32 s26, $0x1;
	_ =	strace $0x80000046;
	[dreg:$0x1] =	wrdreg $0xFFFFFFFF  }
0xa7: {  	s28 =	simm.s32 $_size_execute0_lowered;
	s3 =	sadd.s32 s3, s5;
	[dreg:$0x0] =	wrdreg $0x0  }
0xa8: {  	s5 =	sshll.u32 s28, $0x1;
	[dreg:$0x2] =	wrdreg s3  }
0xa9: {  	[dreg:$0x3] =	wrdreg s5  }
0xaa: {  	[dreg:$0x4] =	wrdreg $0xC0  }
0xab: {  	_ =	task [dreg:s7], $0x5FFFF  }
0xac: {  	[dreg:$0x1] =	wrdreg $0xFFFFFFFF  }
0xad: {  	[dreg:$0x0] =	wrdreg $0x60  }
0xae: {  	[dreg:$0x2] =	wrdreg s2  }
0xaf: {  	[dreg:$0x3] =	wrdreg s24  }
0xb0: {  	[dreg:$0x4] =	wrdreg $0x9  }
0xb1: {  	_ =	task.clear_ibuf [dreg:s7], $0x5FFFF;
	_ =	strace $0x90000046  }
0xb2: {  	s29 =	simm.s32 $0x9;
	_ =	strace $0x80000048  }
0xb3: {  	_ =	swait.ge [sflag:s29], $0x1  }
0xb4: {  	[sflag:s29] =	ssyncadd.s32 $0xFFFFFFFF  }
0xb5: {  	_ =	strace $0x90000048  }
0xb6: {  	_ =	sfence  }
0xb7: {  	s30 =	sld [smem:$0x0];
	_ =	sdelay $0x2  }
0xb8: {  	s31 =	sshll.u32 s1, $0xD;
	s1 =	sshrl.u32 s1, $0x2  }
0xb9: {  	s3 =	sand.u32 $0x4000, s31;
	s1 =	sadd.s32 s1, s30  }
0xba: {  	s0 =	sor.u32 s3, s0;
	s1 =	sshll.u32 s1, $0x11  }
0xbb: {  	s0 =	sor.u32 s1, s0  }
0xbc: {  	s0 =	sadd.s32 $0x8F2B, s0  }
0xbd: {  	[sflag:s0] =	ssyncadd.remote.s32 $0x1  }
0xbe: {  	_ =	sfence.sel $0xFFFF  }
0xbf: {  	[dreg:$0x0] =	wrdreg $0xFFFFFFFF;
	(pc) =	sbr.abs _section_cstart, $3  }
0xc0: {  	[dreg:$0x1] =	wrdreg $0xFFFFFFFF  }
0xc1: {  	_ =	task.clear_ibuf [dreg:s7], $0x2FFFF;
	_ =	strace $0x9FFFFFFF  }
0xc2: {  	(tm) =	ssettm $0x7FFFFFFF  }
0xc3: {  	_ =	shalt  }
tec
execute0_lowered:
.L_overlay_start_1:
0x0: {  	(tag) =	ssettag $0x1  }
0x1: {  	s0 =	srdreg.scid;
	s2 =	rddreg [dreg:$0x0]  }
0x2: {  	s3 =	stileid.u32;
	s1 =	rddreg [dreg:$0x1]  }
0x3: {  	s26 =	simm.s32 $0x80;
	s17 =	simm.s32 $0x1;
	s20 =	simm.s32 $0x1100  }
0x4: {  	s21 =	simm.s32 $0x1900;
	s22 =	simm.s32 $0x2100;
	s23 =	simm.s32 $0x2900  }
0x5: {  	s28 =	simm.s32 $0x4900;
	s29 =	simm.s32 $0x5100;
	s30 =	simm.s32 $0x5900  }
0x6: {  	s31 =	simm.s32 $0x6100;
	s9 =	simm.s32 $0x7900;
	s10 =	simm.s32 $0x8100  }
0x7: {  	s11 =	simm.s32 $0x8900;
	s12 =	simm.s32 $0x9100;
	s13 =	simm.s32 $0x9900  }
0x8: {  	s14 =	simm.s32 $0xA100;
	s15 =	simm.s32 $0xA900;
	s16 =	simm.s32 $0xB100  }
0x9: {  	s0 =	sand.u32 $0x1, s0;
	s4 =	sshll.u32 s3, $0x5;
	s3 =	simm.s32 $0x0  }
0xa: {  	s8 =	simm.s32 $0xB900;
	s5 =	sshll.u32 s0, $0x4;
	[smem:$0x7FF] =	sst s3  }
0xb: {  	s0 =	ssub.s32 $0x2, s0;
	s4 =	sor.u32 s5, s4;
	_ =	strace $0x80000047  }
0xc: {  	s6 =	sshrl.u32 s0, $0x1;
	s5 =	sadd.s32 $0x100, s2;
	[dreg:$0x5] =	wrdreg s26  }
0xd: {  	s26 =	simm.s32 $0x4100;
	s4 =	sadd.s32 s4, s1;
	s0 =	ssub.s32 s0, s6  }
0xe: {  	v2 =	vlaneseq.u32;
	s6 =	sadd.s32 $0x3100, s1;
	s24 =	sadd.s32 $0x2C00, s4;
	s25 =	sadd.s32 $0x2E00, s4  }
0xf: {  	vm0 =	vmmov $0xffff;
	v1 =	vshrl.u32 v2, $0x3;
	s4 =	sadd.s32 $0x3000, s1;
	s7 =	smax.u32 s0, $0x1;
	[dreg:$0x3] =	wrdreg s24  }
0x10: {  	v0 =	vand.u32 $0x7, v2;
	v2 =	vor.u32 $0x8, v2;
	v1 =	vmul.u32 $0x8, v1;
	[dreg:$0x4] =	wrdreg s25;
	s24 =	simm.s32 $0x3100;
	s25 =	simm.s32 $0x3900  }
.LBB2_1:
0x11: {  	s18 =	rddreg [dreg:$0x3];
	s0 =	simm.s32 $0x2  }
0x12: {  	[tilespmem:s3], [sflag:$0x2] =	stream.linear.gather [hbm4b:s18+s3], $0x80, $0x38;
	[tilespmem:$0x10100] =	vst v63  }
0x13: {  	_ =	swait.ge [sflag:s0], $0x80  }
0x14: {  	s1 =	rddreg [dreg:$0x4];
	[sflag:s0] =	ssyncset.done $0x0  }
0x15: {  	s19 =	rddreg [dreg:$0x5];
	[sflag:s0] =	ssyncadd.s32 $0xFFFFFF80  }
0x16: {  	[tilespmem:s19], [sflag:$0x2] =	stream.linear.gather [hbm4b:s1+s3], $0x80, $0x38;
	[tilespmem:$0x10100] =	vst v63  }
0x17: {  	_ =	swait.ge [sflag:s0], $0x80  }
0x18: {  	[sflag:s0] =	ssyncset.done $0x0  }
0x19: {  	[sflag:s0] =	ssyncadd.s32 $0xFFFFFF80  }
0x1a: {  	v3 =	vld [tilespmem:$0x0];
	_ =	sdelay $0x4  }
0x1b: {  	v4 =	vshll.u32 v3, $0x2  }
0x1c: {  	v3 =	vand.u32 $0x7, v3;
	v4 =	vand.u32 $0xFFFFFFE0, v4  }
0x1d: {  	v3 =	vor.u32 v3, v4  }
0x1e: {  	v4 =	vperm.xlane v3, v0;
	_ =	sdelay $0x1  }
0x1f: {  	v4 =	vadd.s32 v1, v4;
	_ =	sdelay $0x1  }
0x20: {  	v3 =	vperm.xlane v3, v2;
	_ =	sdelay $0x1  }
0x21: {  	s18 =	simm.s32 $0x100;
	v3 =	vadd.s32 v1, v3  }
0x22: {  	[tilespmem:s18], [sflag:$0x1] =	stream.indirect_vreg.gather [hbm4b:s2+s3], $0x80, v4, vm0, $0xb8;
	[tilespmem:$0x10100] =	vst v63  }
0x23: {  	s19 =	simm.s32 $0x900  }
0x24: {  	[tilespmem:s19], [sflag:$0x1] =	stream.indirect_vreg.gather [hbm4b:s5+s3], $0x80, v4, vm0, $0xb8;
	[tilespmem:$0x10100] =	vst v63  }
0x25: {  	_ = 	snop  }
0x26: {  	[tilespmem:s20], [sflag:$0x1] =	stream.indirect_vreg.gather [hbm4b:s2+s3], $0x80, v3, vm0, $0xb8;
	[tilespmem:$0x10100] =	vst v63  }
0x27: {  	_ = 	snop  }
0x28: {  	[tilespmem:s21], [sflag:$0x1] =	stream.indirect_vreg.gather [hbm4b:s5+s3], $0x80, v3, vm0, $0xb8;
	[tilespmem:$0x10100] =	vst v63  }
0x29: {  	v3 =	vld [tilespmem:$0x10];
	_ =	sdelay $0x4  }
0x2a: {  	v49 =	vshll.u32 v3, $0x2  }
0x2b: {  	v3 =	vand.u32 $0x7, v3;
	v4 =	vand.u32 $0xFFFFFFE0, v49  }
0x2c: {  	v3 =	vor.u32 v3, v4  }
0x2d: {  	v4 =	vperm.xlane v3, v0;
	_ =	sdelay $0x1  }
0x2e: {  	v4 =	vadd.s32 v1, v4;
	_ =	sdelay $0x1  }
0x2f: {  	v3 =	vperm.xlane v3, v2;
	_ =	sdelay $0x1  }
0x30: {  	v3 =	vadd.s32 v1, v3  }
0x31: {  	[tilespmem:s22], [sflag:$0x1] =	stream.indirect_vreg.gather [hbm4b:s2+s3], $0x80, v4, vm0, $0xb8;
	[tilespmem:$0x10100] =	vst v63  }
0x32: {  	_ = 	snop  }
0x33: {  	[tilespmem:s23], [sflag:$0x1] =	stream.indirect_vreg.gather [hbm4b:s5+s3], $0x80, v4, vm0, $0xb8;
	[tilespmem:$0x10100] =	vst v63  }
0x34: {  	_ = 	snop  }
0x35: {  	[tilespmem:s24], [sflag:$0x1] =	stream.indirect_vreg.gather [hbm4b:s2+s3], $0x80, v3, vm0, $0xb8;
	[tilespmem:$0x10100] =	vst v63  }
0x36: {  	_ = 	snop  }
0x37: {  	[tilespmem:s25], [sflag:$0x1] =	stream.indirect_vreg.gather [hbm4b:s5+s3], $0x80, v3, vm0, $0xb8;
	[tilespmem:$0x10100] =	vst v63  }
0x38: {  	v3 =	vld [tilespmem:$0x20];
	_ =	sdelay $0x4  }
0x39: {  	v50 =	vshll.u32 v3, $0x2  }
0x3a: {  	v3 =	vand.u32 $0x7, v3;
	v4 =	vand.u32 $0xFFFFFFE0, v50  }
0x3b: {  	v3 =	vor.u32 v3, v4  }
0x3c: {  	v4 =	vperm.xlane v3, v0;
	_ =	sdelay $0x1  }
0x3d: {  	v4 =	vadd.s32 v1, v4;
	_ =	sdelay $0x1  }
0x3e: {  	v3 =	vperm.xlane v3, v2;
	_ =	sdelay $0x1  }
0x3f: {  	v3 =	vadd.s32 v1, v3  }
0x40: {  	[tilespmem:s26], [sflag:$0x1] =	stream.indirect_vreg.gather [hbm4b:s2+s3], $0x80, v4, vm0, $0xb8;
	[tilespmem:$0x10100] =	vst v63  }
0x41: {  	_ = 	snop  }
0x42: {  	[tilespmem:s28], [sflag:$0x1] =	stream.indirect_vreg.gather [hbm4b:s5+s3], $0x80, v4, vm0, $0xb8;
	[tilespmem:$0x10100] =	vst v63  }
0x43: {  	_ = 	snop  }
0x44: {  	[tilespmem:s29], [sflag:$0x1] =	stream.indirect_vreg.gather [hbm4b:s2+s3], $0x80, v3, vm0, $0xb8;
	[tilespmem:$0x10100] =	vst v63  }
0x45: {  	_ = 	snop  }
0x46: {  	[tilespmem:s30], [sflag:$0x1] =	stream.indirect_vreg.gather [hbm4b:s5+s3], $0x80, v3, vm0, $0xb8;
	[tilespmem:$0x10100] =	vst v63  }
0x47: {  	v3 =	vld [tilespmem:$0x30];
	_ =	sdelay $0x4  }
0x48: {  	v51 =	vshll.u32 v3, $0x2  }
0x49: {  	v3 =	vand.u32 $0x7, v3;
	v4 =	vand.u32 $0xFFFFFFE0, v51  }
0x4a: {  	v3 =	vor.u32 v3, v4  }
0x4b: {  	v4 =	vperm.xlane v3, v0;
	_ =	sdelay $0x1  }
0x4c: {  	v4 =	vadd.s32 v1, v4;
	_ =	sdelay $0x1  }
0x4d: {  	v3 =	vperm.xlane v3, v2;
	_ =	sdelay $0x1  }
0x4e: {  	v3 =	vadd.s32 v1, v3  }
0x4f: {  	[tilespmem:s31], [sflag:$0x1] =	stream.indirect_vreg.gather [hbm4b:s2+s3], $0x80, v4, vm0, $0xb8;
	[tilespmem:$0x10100] =	vst v63  }
0x50: {  	s1 =	simm.s32 $0x6900  }
0x51: {  	[tilespmem:s1], [sflag:$0x1] =	stream.indirect_vreg.gather [hbm4b:s5+s3], $0x80, v4, vm0, $0xb8;
	[tilespmem:$0x10100] =	vst v63  }
0x52: {  	s0 =	simm.s32 $0x7100  }
0x53: {  	[tilespmem:s0], [sflag:$0x1] =	stream.indirect_vreg.gather [hbm4b:s2+s3], $0x80, v3, vm0, $0xb8;
	[tilespmem:$0x10100] =	vst v63  }
0x54: {  	_ = 	snop  }
0x55: {  	[tilespmem:s9], [sflag:$0x1] =	stream.indirect_vreg.gather [hbm4b:s5+s3], $0x80, v3, vm0, $0xb8;
	[tilespmem:$0x10100] =	vst v63  }
0x56: {  	v3 =	vld [tilespmem:$0x40];
	_ =	sdelay $0x4  }
0x57: {  	v52 =	vshll.u32 v3, $0x2  }
0x58: {  	v3 =	vand.u32 $0x7, v3;
	v4 =	vand.u32 $0xFFFFFFE0, v52  }
0x59: {  	v3 =	vor.u32 v3, v4  }
0x5a: {  	v4 =	vperm.xlane v3, v0;
	_ =	sdelay $0x1  }
0x5b: {  	v4 =	vadd.s32 v1, v4;
	_ =	sdelay $0x1  }
0x5c: {  	v3 =	vperm.xlane v3, v2;
	_ =	sdelay $0x1  }
0x5d: {  	v3 =	vadd.s32 v1, v3  }
0x5e: {  	[tilespmem:s10], [sflag:$0x1] =	stream.indirect_vreg.gather [hbm4b:s2+s3], $0x80, v4, vm0, $0xb8;
	[tilespmem:$0x10100] =	vst v63  }
0x5f: {  	_ = 	snop  }
0x60: {  	[tilespmem:s11], [sflag:$0x1] =	stream.indirect_vreg.gather [hbm4b:s5+s3], $0x80, v4, vm0, $0xb8;
	[tilespmem:$0x10100] =	vst v63  }
0x61: {  	_ = 	snop  }
0x62: {  	[tilespmem:s12], [sflag:$0x1] =	stream.indirect_vreg.gather [hbm4b:s2+s3], $0x80, v3, vm0, $0xb8;
	[tilespmem:$0x10100] =	vst v63  }
0x63: {  	_ = 	snop  }
0x64: {  	[tilespmem:s13], [sflag:$0x1] =	stream.indirect_vreg.gather [hbm4b:s5+s3], $0x80, v3, vm0, $0xb8;
	[tilespmem:$0x10100] =	vst v63  }
0x65: {  	v3 =	vld [tilespmem:$0x50];
	_ =	sdelay $0x4  }
0x66: {  	v53 =	vshll.u32 v3, $0x2  }
0x67: {  	v3 =	vand.u32 $0x7, v3;
	v4 =	vand.u32 $0xFFFFFFE0, v53  }
0x68: {  	v3 =	vor.u32 v3, v4  }
0x69: {  	v4 =	vperm.xlane v3, v0;
	_ =	sdelay $0x1  }
0x6a: {  	v4 =	vadd.s32 v1, v4;
	_ =	sdelay $0x1  }
0x6b: {  	v3 =	vperm.xlane v3, v2;
	_ =	sdelay $0x1  }
0x6c: {  	v3 =	vadd.s32 v1, v3  }
0x6d: {  	[tilespmem:s14], [sflag:$0x1] =	stream.indirect_vreg.gather [hbm4b:s2+s3], $0x80, v4, vm0, $0xb8;
	[tilespmem:$0x10100] =	vst v63  }
0x6e: {  	_ = 	snop  }
0x6f: {  	[tilespmem:s15], [sflag:$0x1] =	stream.indirect_vreg.gather [hbm4b:s5+s3], $0x80, v4, vm0, $0xb8;
	[tilespmem:$0x10100] =	vst v63  }
0x70: {  	_ = 	snop  }
0x71: {  	[tilespmem:s16], [sflag:$0x1] =	stream.indirect_vreg.gather [hbm4b:s2+s3], $0x80, v3, vm0, $0xb8;
	[tilespmem:$0x10100] =	vst v63  }
0x72: {  	_ = 	snop  }
0x73: {  	[tilespmem:s8], [sflag:$0x1] =	stream.indirect_vreg.gather [hbm4b:s5+s3], $0x80, v3, vm0, $0xb8;
	[tilespmem:$0x10100] =	vst v63  }
0x74: {  	v3 =	vld [tilespmem:$0x60];
	_ =	sdelay $0x4  }
0x75: {  	v54 =	vshll.u32 v3, $0x2  }
0x76: {  	v3 =	vand.u32 $0x7, v3;
	v4 =	vand.u32 $0xFFFFFFE0, v54  }
0x77: {  	v3 =	vor.u32 v3, v4  }
0x78: {  	v4 =	vperm.xlane v3, v0;
	_ =	sdelay $0x1  }
0x79: {  	v4 =	vadd.s32 v1, v4;
	_ =	sdelay $0x1  }
0x7a: {  	v3 =	vperm.xlane v3, v2;
	_ =	sdelay $0x1  }
0x7b: {  	s0 =	simm.s32 $0xC100;
	v3 =	vadd.s32 v1, v3  }
0x7c: {  	[tilespmem:s0], [sflag:$0x1] =	stream.indirect_vreg.gather [hbm4b:s2+s3], $0x80, v4, vm0, $0xb8;
	[tilespmem:$0x10100] =	vst v63  }
0x7d: {  	s0 =	simm.s32 $0xC900  }
0x7e: {  	[tilespmem:s0], [sflag:$0x1] =	stream.indirect_vreg.gather [hbm4b:s5+s3], $0x80, v4, vm0, $0xb8;
	[tilespmem:$0x10100] =	vst v63  }
0x7f: {  	s0 =	simm.s32 $0xD100  }
0x80: {  	[tilespmem:s0], [sflag:$0x1] =	stream.indirect_vreg.gather [hbm4b:s2+s3], $0x80, v3, vm0, $0xb8;
	[tilespmem:$0x10100] =	vst v63  }
0x81: {  	s0 =	simm.s32 $0xD900  }
0x82: {  	[tilespmem:s0], [sflag:$0x1] =	stream.indirect_vreg.gather [hbm4b:s5+s3], $0x80, v3, vm0, $0xb8;
	[tilespmem:$0x10100] =	vst v63  }
0x83: {  	v3 =	vld [tilespmem:$0x70];
	_ =	sdelay $0x4  }
0x84: {  	v55 =	vshll.u32 v3, $0x2  }
0x85: {  	v3 =	vand.u32 $0x7, v3;
	v4 =	vand.u32 $0xFFFFFFE0, v55  }
0x86: {  	v3 =	vor.u32 v3, v4  }
0x87: {  	v4 =	vperm.xlane v3, v0;
	_ =	sdelay $0x1  }
0x88: {  	v4 =	vadd.s32 v1, v4;
	_ =	sdelay $0x1  }
0x89: {  	v3 =	vperm.xlane v3, v2;
	_ =	sdelay $0x1  }
0x8a: {  	s0 =	simm.s32 $0xE100;
	v3 =	vadd.s32 v1, v3  }
0x8b: {  	[tilespmem:s0], [sflag:$0x1] =	stream.indirect_vreg.gather [hbm4b:s2+s3], $0x80, v4, vm0, $0xb8;
	[tilespmem:$0x10100] =	vst v63  }
0x8c: {  	s0 =	simm.s32 $0xE900  }
0x8d: {  	[tilespmem:s0], [sflag:$0x1] =	stream.indirect_vreg.gather [hbm4b:s5+s3], $0x80, v4, vm0, $0xb8;
	[tilespmem:$0x10100] =	vst v63  }
0x8e: {  	s0 =	simm.s32 $0xF100  }
0x8f: {  	[tilespmem:s0], [sflag:$0x1] =	stream.indirect_vreg.gather [hbm4b:s2+s3], $0x80, v3, vm0, $0xb8;
	[tilespmem:$0x10100] =	vst v63  }
0x90: {  	s0 =	simm.s32 $0xF900  }
0x91: {  	[tilespmem:s0], [sflag:$0x1] =	stream.indirect_vreg.gather [hbm4b:s5+s3], $0x80, v3, vm0, $0xb8;
	[tilespmem:$0x10100] =	vst v63  }
0x92: {  	_ =	swait.ge [sflag:s17], $0x10000  }
0x93: {  	[sflag:s17] =	ssyncset.done $0x0  }
0x94: {  	[sflag:s17] =	ssyncadd.s32 $0xFFFF0000  }
0x95: {  	v3 =	vld [tilespmem:$0x80];
	_ =	sdelay $0x4  }
0x96: {  	v56 =	vshll.u32 v3, $0x2  }
0x97: {  	v3 =	vand.u32 $0x7, v3;
	v4 =	vand.u32 $0xFFFFFFE0, v56  }
0x98: {  	v3 =	vor.u32 v3, v4  }
0x99: {  	v4 =	vperm.xlane v3, v0;
	_ =	sdelay $0x1  }
0x9a: {  	v4 =	vadd.s32 v1, v4;
	_ =	sdelay $0x1  }
0x9b: {  	v3 =	vperm.xlane v3, v2;
	_ =	sdelay $0x1  }
0x9c: {  	v3 =	vadd.s32 v1, v3  }
0x9d: {  	[hbm4b:s4+s3] =	stream.indirect_vreg.scatter [tilespmem:s18], [sflag:$0x1], $0x80, v4, vm0, $0xb8;
	[tilespmem:$0x10100] =	vst v63  }
0x9e: {  	_ = 	snop  }
0x9f: {  	[hbm4b:s6+s3] =	stream.indirect_vreg.scatter [tilespmem:s19], [sflag:$0x1], $0x80, v4, vm0, $0xb8;
	[tilespmem:$0x10100] =	vst v63  }
0xa0: {  	_ = 	snop  }
0xa1: {  	[hbm4b:s4+s3] =	stream.indirect_vreg.scatter [tilespmem:s20], [sflag:$0x1], $0x80, v3, vm0, $0xb8;
	[tilespmem:$0x10100] =	vst v63  }
0xa2: {  	_ = 	snop  }
0xa3: {  	[hbm4b:s6+s3] =	stream.indirect_vreg.scatter [tilespmem:s21], [sflag:$0x1], $0x80, v3, vm0, $0xb8;
	[tilespmem:$0x10100] =	vst v63  }
0xa4: {  	v3 =	vld [tilespmem:$0x90];
	_ =	sdelay $0x4  }
0xa5: {  	v57 =	vshll.u32 v3, $0x2  }
0xa6: {  	v3 =	vand.u32 $0x7, v3;
	v4 =	vand.u32 $0xFFFFFFE0, v57  }
0xa7: {  	v3 =	vor.u32 v3, v4  }
0xa8: {  	v4 =	vperm.xlane v3, v0;
	_ =	sdelay $0x1  }
0xa9: {  	v4 =	vadd.s32 v1, v4;
	_ =	sdelay $0x1  }
0xaa: {  	v3 =	vperm.xlane v3, v2;
	_ =	sdelay $0x1  }
0xab: {  	v3 =	vadd.s32 v1, v3  }
0xac: {  	[hbm4b:s4+s3] =	stream.indirect_vreg.scatter [tilespmem:s22], [sflag:$0x1], $0x80, v4, vm0, $0xb8;
	[tilespmem:$0x10100] =	vst v63  }
0xad: {  	_ = 	snop  }
0xae: {  	[hbm4b:s6+s3] =	stream.indirect_vreg.scatter [tilespmem:s23], [sflag:$0x1], $0x80, v4, vm0, $0xb8;
	[tilespmem:$0x10100] =	vst v63  }
0xaf: {  	_ = 	snop  }
0xb0: {  	[hbm4b:s4+s3] =	stream.indirect_vreg.scatter [tilespmem:s24], [sflag:$0x1], $0x80, v3, vm0, $0xb8;
	[tilespmem:$0x10100] =	vst v63  }
0xb1: {  	_ = 	snop  }
0xb2: {  	[hbm4b:s6+s3] =	stream.indirect_vreg.scatter [tilespmem:s25], [sflag:$0x1], $0x80, v3, vm0, $0xb8;
	[tilespmem:$0x10100] =	vst v63  }
0xb3: {  	v3 =	vld [tilespmem:$0xA0];
	_ =	sdelay $0x4  }
0xb4: {  	v58 =	vshll.u32 v3, $0x2  }
0xb5: {  	v3 =	vand.u32 $0x7, v3;
	v4 =	vand.u32 $0xFFFFFFE0, v58  }
0xb6: {  	v3 =	vor.u32 v3, v4  }
0xb7: {  	v4 =	vperm.xlane v3, v0;
	_ =	sdelay $0x1  }
0xb8: {  	v4 =	vadd.s32 v1, v4;
	_ =	sdelay $0x1  }
0xb9: {  	v3 =	vperm.xlane v3, v2;
	_ =	sdelay $0x1  }
0xba: {  	v3 =	vadd.s32 v1, v3  }
0xbb: {  	[hbm4b:s4+s3] =	stream.indirect_vreg.scatter [tilespmem:s26], [sflag:$0x1], $0x80, v4, vm0, $0xb8;
	[tilespmem:$0x10100] =	vst v63  }
0xbc: {  	_ = 	snop  }
0xbd: {  	[hbm4b:s6+s3] =	stream.indirect_vreg.scatter [tilespmem:s28], [sflag:$0x1], $0x80, v4, vm0, $0xb8;
	[tilespmem:$0x10100] =	vst v63  }
0xbe: {  	_ = 	snop  }
0xbf: {  	[hbm4b:s4+s3] =	stream.indirect_vreg.scatter [tilespmem:s29], [sflag:$0x1], $0x80, v3, vm0, $0xb8;
	[tilespmem:$0x10100] =	vst v63  }
0xc0: {  	_ = 	snop  }
0xc1: {  	[hbm4b:s6+s3] =	stream.indirect_vreg.scatter [tilespmem:s30], [sflag:$0x1], $0x80, v3, vm0, $0xb8;
	[tilespmem:$0x10100] =	vst v63  }
0xc2: {  	v3 =	vld [tilespmem:$0xB0];
	_ =	sdelay $0x4  }
0xc3: {  	v59 =	vshll.u32 v3, $0x2  }
0xc4: {  	v3 =	vand.u32 $0x7, v3;
	v4 =	vand.u32 $0xFFFFFFE0, v59  }
0xc5: {  	v3 =	vor.u32 v3, v4  }
0xc6: {  	v4 =	vperm.xlane v3, v0;
	_ =	sdelay $0x1  }
0xc7: {  	v4 =	vadd.s32 v1, v4;
	_ =	sdelay $0x1  }
0xc8: {  	v3 =	vperm.xlane v3, v2;
	_ =	sdelay $0x1  }
0xc9: {  	v3 =	vadd.s32 v1, v3  }
0xca: {  	[hbm4b:s4+s3] =	stream.indirect_vreg.scatter [tilespmem:s31], [sflag:$0x1], $0x80, v4, vm0, $0xb8;
	[tilespmem:$0x10100] =	vst v63  }
0xcb: {  	_ = 	snop  }
0xcc: {  	[hbm4b:s6+s3] =	stream.indirect_vreg.scatter [tilespmem:s1], [sflag:$0x1], $0x80, v4, vm0, $0xb8;
	[tilespmem:$0x10100] =	vst v63  }
0xcd: {  	s18 =	simm.s32 $0x7100  }
0xce: {  	[hbm4b:s4+s3] =	stream.indirect_vreg.scatter [tilespmem:s18], [sflag:$0x1], $0x80, v3, vm0, $0xb8;
	[tilespmem:$0x10100] =	vst v63  }
0xcf: {  	_ = 	snop  }
0xd0: {  	[hbm4b:s6+s3] =	stream.indirect_vreg.scatter [tilespmem:s9], [sflag:$0x1], $0x80, v3, vm0, $0xb8;
	[tilespmem:$0x10100] =	vst v63  }
0xd1: {  	v3 =	vld [tilespmem:$0xC0];
	_ =	sdelay $0x4  }
0xd2: {  	v60 =	vshll.u32 v3, $0x2  }
0xd3: {  	v3 =	vand.u32 $0x7, v3;
	v4 =	vand.u32 $0xFFFFFFE0, v60  }
0xd4: {  	v3 =	vor.u32 v3, v4  }
0xd5: {  	v4 =	vperm.xlane v3, v0;
	_ =	sdelay $0x1  }
0xd6: {  	v4 =	vadd.s32 v1, v4;
	_ =	sdelay $0x1  }
0xd7: {  	v3 =	vperm.xlane v3, v2;
	_ =	sdelay $0x1  }
0xd8: {  	v3 =	vadd.s32 v1, v3  }
0xd9: {  	[hbm4b:s4+s3] =	stream.indirect_vreg.scatter [tilespmem:s10], [sflag:$0x1], $0x80, v4, vm0, $0xb8;
	[tilespmem:$0x10100] =	vst v63  }
0xda: {  	_ = 	snop  }
0xdb: {  	[hbm4b:s6+s3] =	stream.indirect_vreg.scatter [tilespmem:s11], [sflag:$0x1], $0x80, v4, vm0, $0xb8;
	[tilespmem:$0x10100] =	vst v63  }
0xdc: {  	_ = 	snop  }
0xdd: {  	[hbm4b:s4+s3] =	stream.indirect_vreg.scatter [tilespmem:s12], [sflag:$0x1], $0x80, v3, vm0, $0xb8;
	[tilespmem:$0x10100] =	vst v63  }
0xde: {  	_ = 	snop  }
0xdf: {  	[hbm4b:s6+s3] =	stream.indirect_vreg.scatter [tilespmem:s13], [sflag:$0x1], $0x80, v3, vm0, $0xb8;
	[tilespmem:$0x10100] =	vst v63  }
0xe0: {  	v3 =	vld [tilespmem:$0xD0];
	_ =	sdelay $0x4  }
0xe1: {  	v61 =	vshll.u32 v3, $0x2  }
0xe2: {  	v3 =	vand.u32 $0x7, v3;
	v4 =	vand.u32 $0xFFFFFFE0, v61  }
0xe3: {  	v3 =	vor.u32 v3, v4  }
0xe4: {  	v4 =	vperm.xlane v3, v0;
	_ =	sdelay $0x1  }
0xe5: {  	v4 =	vadd.s32 v1, v4;
	_ =	sdelay $0x1  }
0xe6: {  	v3 =	vperm.xlane v3, v2;
	_ =	sdelay $0x1  }
0xe7: {  	v3 =	vadd.s32 v1, v3  }
0xe8: {  	[hbm4b:s4+s3] =	stream.indirect_vreg.scatter [tilespmem:s14], [sflag:$0x1], $0x80, v4, vm0, $0xb8;
	[tilespmem:$0x10100] =	vst v63  }
0xe9: {  	_ = 	snop  }
0xea: {  	[hbm4b:s6+s3] =	stream.indirect_vreg.scatter [tilespmem:s15], [sflag:$0x1], $0x80, v4, vm0, $0xb8;
	[tilespmem:$0x10100] =	vst v63  }
0xeb: {  	_ = 	snop  }
0xec: {  	[hbm4b:s4+s3] =	stream.indirect_vreg.scatter [tilespmem:s16], [sflag:$0x1], $0x80, v3, vm0, $0xb8;
	[tilespmem:$0x10100] =	vst v63  }
0xed: {  	_ = 	snop  }
0xee: {  	[hbm4b:s6+s3] =	stream.indirect_vreg.scatter [tilespmem:s8], [sflag:$0x1], $0x80, v3, vm0, $0xb8;
	[tilespmem:$0x10100] =	vst v63  }
0xef: {  	v3 =	vld [tilespmem:$0xE0];
	_ =	sdelay $0x4  }
0xf0: {  	v62 =	vshll.u32 v3, $0x2  }
0xf1: {  	v3 =	vand.u32 $0x7, v3;
	v4 =	vand.u32 $0xFFFFFFE0, v62  }
0xf2: {  	v3 =	vor.u32 v3, v4  }
0xf3: {  	v4 =	vperm.xlane v3, v0;
	_ =	sdelay $0x1  }
0xf4: {  	v4 =	vadd.s32 v1, v4;
	_ =	sdelay $0x1  }
0xf5: {  	v3 =	vperm.xlane v3, v2;
	_ =	sdelay $0x1  }
0xf6: {  	s19 =	simm.s32 $0xC100;
	v3 =	vadd.s32 v1, v3  }
0xf7: {  	[hbm4b:s4+s3] =	stream.indirect_vreg.scatter [tilespmem:s19], [sflag:$0x1], $0x80, v4, vm0, $0xb8;
	[tilespmem:$0x10100] =	vst v63  }
0xf8: {  	s18 =	simm.s32 $0xC900  }
0xf9: {  	[hbm4b:s6+s3] =	stream.indirect_vreg.scatter [tilespmem:s18], [sflag:$0x1], $0x80, v4, vm0, $0xb8;
	[tilespmem:$0x10100] =	vst v63  }
0xfa: {  	s19 =	simm.s32 $0xD100  }
0xfb: {  	[hbm4b:s4+s3] =	stream.indirect_vreg.scatter [tilespmem:s19], [sflag:$0x1], $0x80, v3, vm0, $0xb8;
	[tilespmem:$0x10100] =	vst v63  }
0xfc: {  	s18 =	simm.s32 $0xD900  }
0xfd: {  	[hbm4b:s6+s3] =	stream.indirect_vreg.scatter [tilespmem:s18], [sflag:$0x1], $0x80, v3, vm0, $0xb8;
	[tilespmem:$0x10100] =	vst v63  }
0xfe: {  	v3 =	vld [tilespmem:$0xF0];
	_ =	sdelay $0x4  }
0xff: {  	v63 =	vshll.u32 v3, $0x2  }
0x100: {  	v3 =	vand.u32 $0x7, v3;
	v4 =	vand.u32 $0xFFFFFFE0, v63  }
0x101: {  	v3 =	vor.u32 v3, v4  }
0x102: {  	v4 =	vperm.xlane v3, v0;
	_ =	sdelay $0x1  }
0x103: {  	v4 =	vadd.s32 v1, v4;
	_ =	sdelay $0x1  }
0x104: {  	v3 =	vperm.xlane v3, v2;
	_ =	sdelay $0x1  }
0x105: {  	s19 =	simm.s32 $0xE100;
	v3 =	vadd.s32 v1, v3  }
0x106: {  	[hbm4b:s4+s3] =	stream.indirect_vreg.scatter [tilespmem:s19], [sflag:$0x1], $0x80, v4, vm0, $0xb8;
	[tilespmem:$0x10100] =	vst v63  }
0x107: {  	s18 =	simm.s32 $0xE900  }
0x108: {  	[hbm4b:s6+s3] =	stream.indirect_vreg.scatter [tilespmem:s18], [sflag:$0x1], $0x80, v4, vm0, $0xb8;
	[tilespmem:$0x10100] =	vst v63  }
0x109: {  	p0 =	sne.s32 s7, $0x1;
	s19 =	simm.s32 $0xF100  }
0x10a: {  	[hbm4b:s4+s3] =	stream.indirect_vreg.scatter [tilespmem:s19], [sflag:$0x1], $0x80, v3, vm0, $0xb8;
	[tilespmem:$0x10100] =	vst v63  }
.Ltmp0:
0x10b: {  	_ = 	snop;
	(pc) =	sbr.rel @p0 .LBB2_1-.Ltmp0, $4  }
0x10c: {  	[hbm4b:s6+s3] =	stream.indirect_vreg.scatter [tilespmem:s0], [sflag:$0x1], $0x80, v3, vm0, $0xb8;
	[tilespmem:$0x10100] =	vst v63  }
0x10d: {  	_ =	swait.ge [sflag:s17], $0x10000  }
0x10e: {  	[sflag:s17] =	ssyncset.done $0x0  }
0x10f: {  	s7 =	sadd.s32 $0xFFFFFFFF, s7;
	[sflag:s17] =	ssyncadd.s32 $0xFFFF0000  }
0x110: {  	_ =	sfence.sel $0x180000  }
0x111: {  	[bflag:$0x0] =	sbarrier.arrive $0xFFFF  }
0x112: {  	_ =	strace $0x90000047  }
0x113: {  	s0 =	stileid.u32;
	[bflag:$0x2] =	sbarrier.arrive $0xFFFF  }
0x114: {  	p0 =	sne.s32 s0, $0x0;
	s0 =	rddreg [dreg:$0x2]  }
0x115: {  	s0 =	sadd.s32 @!p0 $0x100000, s0  }
0x116: {  	[sflag:s0] =	ssyncadd.tile.s32 @!p0 $0x1;
	_ =	shalt  }
.Lfunc_end2:
_tile_overlayer_lowered:
.L_overlay_start_2:
0x117: {  	(tag) =	ssettag $0x2  }
0x118: {  	s0 =	rddreg [dreg:$0x0];
	s2 =	stileid.u32  }
0x119: {  	s1 =	rddreg [dreg:$0x1];
	p0 =	sne.s32 s2, $0x0  }
0x11a: {  	s3 =	rddreg [dreg:$0x2];
	[bflag:$0x3] =	sbarrier.arrive $0xFFFF;
	s2 =	simm.s32 @!p0 $0x1C02  }
0x11b: {  	[timem:s3], [sflag:s2] =	dma.local @!p0 [hbm:s0], s1  }
0x11c: {  	s0 =	simm.s32 @!p0 $0x2  }
0x11d: {  	_ =	swait.ge @!p0 [sflag:s0], s1  }
0x11e: {  	s1 =	ssub.s32 @!p0 $0x0, s1;
	[sflag:s0] =	ssyncset.done @!p0 $0x0  }
0x11f: {  	[sflag:s0] =	ssyncadd.s32 @!p0 s1  }
0x120: {  	[bflag:$0x3] =	sbarrier.arrive $0xFFFF  }
0x121: {  	_ =	shalt  }

</sc_bundles>
